<compile_context>
chip_gen: v7x
topology: tpu7x:2x2x1
jax: 0.10.2.dev20260603
libtpu: 0.0.44.dev20260713+nightly
codegen_flags: <defaults>
</compile_context>

<pallas_src>
import functools

import jax
import jax.numpy as jnp
from jax import lax
from jax.experimental import pallas as pl
from jax.experimental.pallas import tpu as pltpu
from jax.experimental.pallas import tpu_sc as plsc

_CHUNK = 128
_SUPER = 512
_NBUF = 2
_LANES = 16


@functools.lru_cache(maxsize=None)
def _build(B, D, DP):
    info = plsc.get_sparse_core_info()
    nc, ns = info.num_cores, info.num_subcores
    nw = nc * ns
    per_w = B // nw
    n_super = per_w // _SUPER
    n_pair = n_super // _NBUF
    G = _SUPER // _CHUNK
    assert per_w * nw == B and n_super * _SUPER == per_w and n_pair * _NBUF == n_super
    mesh = plsc.VectorSubcoreMesh(core_axis_name="c", subcore_axis_name="s")

    @functools.partial(
        pl.kernel,
        mesh=mesh,
        out_type=jax.ShapeDtypeStruct((B, DP), jnp.float32),
        scratch_types=[
            pltpu.VMEM((_NBUF, _SUPER), jnp.int32),
            pltpu.VMEM((_NBUF, _SUPER, D), jnp.float32),
            pltpu.SemaphoreType.DMA((_NBUF,)),
            pltpu.SemaphoreType.DMA((_NBUF,)),
            pltpu.SemaphoreType.DMA((_NBUF,)),
        ],
        compiler_params=pltpu.CompilerParams(use_tc_tiling_on_sc=False),
    )
    def gather_kernel(idx_hbm, table_hbm, out_hbm, idx_v, rows_v, isem, gsem, osem):
        wid = lax.axis_index("s") * nc + lax.axis_index("c")
        base = wid * per_w

        def idx_off(i):
            return pl.multiple_of(base + i * _SUPER, _SUPER)

        for b in range(_NBUF):
            pltpu.async_copy(
                idx_hbm.at[pl.ds(idx_off(b), _SUPER)], idx_v.at[b], isem.at[b])

        def pair(g, carry):
            for b in range(_NBUF):
                i = g * _NBUF + b

                @pl.when(g > 0)
                def _():
                    pltpu.make_async_copy(
                        rows_v.at[b],
                        out_hbm.at[pl.ds(idx_off(0), _SUPER), pl.ds(0, D)],
                        osem.at[b]).wait()

                pltpu.make_async_copy(
                    idx_hbm.at[pl.ds(idx_off(0), _SUPER)], idx_v.at[b],
                    isem.at[b]).wait()

                for k in range(_SUPER // _LANES):
                    v = idx_v[b, pl.ds(k * _LANES, _LANES)]
                    idx_v[b, pl.ds(k * _LANES, _LANES)] = v + v

                for j in range(G):
                    pltpu.async_copy(
                        table_hbm.at[idx_v.at[b, pl.ds(j * _CHUNK, _CHUNK)]],
                        rows_v.at[b, pl.ds(j * _CHUNK, _CHUNK)],
                        gsem.at[b])

                pltpu.make_async_copy(
                    table_hbm.at[pl.ds(0, _SUPER)], rows_v.at[b],
                    gsem.at[b]).wait()

                @pl.when(g < n_pair - 1)
                def _():
                    pltpu.async_copy(
                        idx_hbm.at[pl.ds(idx_off(i + _NBUF), _SUPER)],
                        idx_v.at[b], isem.at[b])

                pltpu.async_copy(
                    rows_v.at[b],
                    out_hbm.at[pl.ds(idx_off(i), _SUPER), pl.ds(0, D)],
                    osem.at[b])
            return carry

        lax.fori_loop(0, n_pair, pair, 0)
        for b in range(_NBUF):
            pltpu.make_async_copy(
                rows_v.at[b],
                out_hbm.at[pl.ds(idx_off(0), _SUPER), pl.ds(0, D)],
                osem.at[b]).wait()

    return gather_kernel


def kernel(x, table):
    B = x.shape[0] * x.shape[1]
    V, D = table.shape
    DP = 128
    idx = x.reshape(B).astype(jnp.int32)
    table_p = jnp.pad(table, ((0, 0), (0, DP - D)))
    t64 = table_p.reshape(2 * V, D)
    out = _build(B, D, DP)(idx, t64)
    return out[:, :D].reshape(x.shape + (D,))

# --- scband reference (transcript-rebuilt; emitter-appended) ---
"""Pipeline reference for scband-sequence-embedder-11708080849565 (READ-ONLY COPY).

The authoritative reference and input builder live on the scoring server;
editing this copy changes nothing except your own understanding.
"""

import jax, jax.numpy as jnp
import numpy as np

VOCAB = 1000000
EMBED_DIM = 64
BATCH = 4096
HIST = 200

def setup_inputs(seed: int = 0) -> dict:
    key = jax.random.key(seed)
    k1, k2 = jax.random.split(key)
    x = jax.random.randint(k1, (BATCH, HIST), 0, VOCAB, dtype=jnp.int64 if jax.config.jax_enable_x64 else jnp.int32)
    table = jax.random.normal(k2, (VOCAB, EMBED_DIM), dtype=jnp.float32)
    return {"x": x, "table": table}

def reference(x, table):
    # nn.Embedding forward: gather rows of the table by index
    embedding = jnp.take(table, x, axis=0)
    return embedding

if __name__ == "__main__":
    import jax
    _d = setup_inputs()
    print(jax.jit(kernel)(*tuple(_d.values())))

</pallas_src>

<mosaic_0001>
#map = affine_map<(d0, d1) -> (0)>
#map1 = affine_map<(d0, d1) -> (0, 0)>
module attributes {stable_mosaic.version = 14 : i64} {
  func.func @gather_kernel(%arg0: i32, %arg1: i32, %arg2: memref<819200xi32, #tpu.memory_space<hbm>>, %arg3: memref<2000000x64xf32, #tpu.memory_space<hbm>>, %arg4: memref<819200x128xf32, #tpu.memory_space<hbm>>, %arg5: memref<2x512xi32, #tpu.memory_space<vmem>>, %arg6: memref<2x512x64xf32, #tpu.memory_space<vmem>>, %arg7: memref<2x!tpu.dma_semaphore, #tpu.memory_space<semaphore_mem>>, %arg8: memref<2x!tpu.dma_semaphore, #tpu.memory_space<semaphore_mem>>, %arg9: memref<2x!tpu.dma_semaphore, #tpu.memory_space<semaphore_mem>>) attributes {dimension_semantics = [#tpu.dimension_semantics<core_parallel>, #tpu.dimension_semantics<subcore_parallel>], iteration_bounds = array<i64: 2, 16>, scalar_prefetch = 0 : i64, scratch_operands = 5 : i64, tpu.core_type = #tpu.core_type<sc_vector_subcore>, window_params = [{transform_indices = #map}, {transform_indices = #map1}, {transform_indices = #map1}]} {
    %mul3A = arith.constant 2 : i32
    %mul3A_0 = arith.muli %arg1, %mul3A : i32
    %add3A = arith.addi %mul3A_0, %arg0 : i32
    %mul3A_1 = arith.constant 25600 : i32
    %mul3A_2 = arith.muli %add3A, %mul3A_1 : i32
    %add3A_3 = arith.constant 0 : i32
    %add3A_4 = arith.addi %mul3A_2, %add3A_3 : i32
    %multiple_of3A = tpu.assume_multiple %add3A_4, 512 : i32
    %dma_start3A = arith.constant 0 : i32
    %dma_start3A_5 = arith.constant 0 : i32
    %dma_start3A_6 = arith.constant 0 : i32
    %dma_start3A_7 = tpu.memref_slice %arg5[%dma_start3A, %dma_start3A_6] : memref<2x512xi32, #tpu.memory_space<vmem>> -> memref<1x512xi32, #tpu.memory_space<vmem>>
    %dma_start3A_8 = tpu.memref_squeeze %dma_start3A_7 : memref<1x512xi32, #tpu.memory_space<vmem>> -> memref<512xi32, #tpu.memory_space<vmem>>
    %dma_start3A_9 = tpu.memref_slice %arg2[%multiple_of3A] : memref<819200xi32, #tpu.memory_space<hbm>> -> memref<512xi32, #tpu.memory_space<hbm>>
    %dma_start3A_10 = tpu.memref_slice %arg7[%dma_start3A_5] : memref<2x!tpu.dma_semaphore, #tpu.memory_space<semaphore_mem>> -> memref<1x!tpu.dma_semaphore, #tpu.memory_space<semaphore_mem>>
    %dma_start3A_11 = tpu.memref_squeeze %dma_start3A_10 : memref<1x!tpu.dma_semaphore, #tpu.memory_space<semaphore_mem>> -> memref<!tpu.dma_semaphore, #tpu.memory_space<semaphore_mem>>
    %dma_start3A_12 = arith.constant 0 : i32
    %dma_start3A_13 = tpu.memref_slice %arg5[%dma_start3A, %dma_start3A_12] : memref<2x512xi32, #tpu.memory_space<vmem>> -> memref<1x512xi32, #tpu.memory_space<vmem>>
    %dma_start3A_14 = tpu.memref_squeeze %dma_start3A_13 : memref<1x512xi32, #tpu.memory_space<vmem>> -> memref<512xi32, #tpu.memory_space<vmem>>
    %dma_start3A_15 = tpu.memref_slice %arg2[%multiple_of3A] : memref<819200xi32, #tpu.memory_space<hbm>> -> memref<512xi32, #tpu.memory_space<hbm>>
    tpu.enqueue_dma source(%dma_start3A_15 : memref<512xi32, #tpu.memory_space<hbm>>) target(%dma_start3A_14 : memref<512xi32, #tpu.memory_space<vmem>>) target_semaphore(%dma_start3A_11 : memref<!tpu.dma_semaphore, #tpu.memory_space<semaphore_mem>>)
    %add3A_16 = arith.constant 512 : i32
    %add3A_17 = arith.addi %mul3A_2, %add3A_16 : i32
    %multiple_of3A_18 = tpu.assume_multiple %add3A_17, 512 : i32
    %dma_start3A_19 = arith.constant 1 : i32
    %dma_start3A_20 = arith.constant 1 : i32
    %dma_start3A_21 = arith.constant 0 : i32
    %dma_start3A_22 = tpu.memref_slice %arg5[%dma_start3A_19, %dma_start3A_21] : memref<2x512xi32, #tpu.memory_space<vmem>> -> memref<1x512xi32, #tpu.memory_space<vmem>>
    %dma_start3A_23 = tpu.memref_squeeze %dma_start3A_22 : memref<1x512xi32, #tpu.memory_space<vmem>> -> memref<512xi32, #tpu.memory_space<vmem>>
    %dma_start3A_24 = tpu.memref_slice %arg2[%multiple_of3A_18] : memref<819200xi32, #tpu.memory_space<hbm>> -> memref<512xi32, #tpu.memory_space<hbm>>
    %dma_start3A_25 = tpu.memref_slice %arg7[%dma_start3A_20] : memref<2x!tpu.dma_semaphore, #tpu.memory_space<semaphore_mem>> -> memref<1x!tpu.dma_semaphore, #tpu.memory_space<semaphore_mem>>
    %dma_start3A_26 = tpu.memref_squeeze %dma_start3A_25 : memref<1x!tpu.dma_semaphore, #tpu.memory_space<semaphore_mem>> -> memref<!tpu.dma_semaphore, #tpu.memory_space<semaphore_mem>>
    %dma_start3A_27 = arith.constant 0 : i32
    %dma_start3A_28 = tpu.memref_slice %arg5[%dma_start3A_19, %dma_start3A_27] : memref<2x512xi32, #tpu.memory_space<vmem>> -> memref<1x512xi32, #tpu.memory_space<vmem>>
    %dma_start3A_29 = tpu.memref_squeeze %dma_start3A_28 : memref<1x512xi32, #tpu.memory_space<vmem>> -> memref<512xi32, #tpu.memory_space<vmem>>
    %dma_start3A_30 = tpu.memref_slice %arg2[%multiple_of3A_18] : memref<819200xi32, #tpu.memory_space<hbm>> -> memref<512xi32, #tpu.memory_space<hbm>>
    tpu.enqueue_dma source(%dma_start3A_30 : memref<512xi32, #tpu.memory_space<hbm>>) target(%dma_start3A_29 : memref<512xi32, #tpu.memory_space<vmem>>) target_semaphore(%dma_start3A_26 : memref<!tpu.dma_semaphore, #tpu.memory_space<semaphore_mem>>)
    %scan3A = arith.constant 0 : i32
    %scan3A_31 = arith.constant 0 : i32
    %scan3A_32 = arith.constant 25 : i32
    %scan3A_33 = arith.addi %scan3A_31, %scan3A_32 : i32
    %scan3A_34 = arith.constant 1 : i32
    scf.for %scan3A_73 = %scan3A_31 to %scan3A_33 step %scan3A_34  : i32 {
      %mul3A_74 = arith.constant 2 : i32
      %mul3A_75 = arith.muli %scan3A_73, %mul3A_74 : i32
      %add3A_76 = arith.constant 0 : i32
      %add3A_77 = arith.addi %mul3A_75, %add3A_76 : i32
      %gt3A = arith.constant 0 : i32
      %gt3A_78 = arith.cmpi sgt, %scan3A_73, %gt3A : i32
      %convert_element_type3A = arith.extui %gt3A_78 : i1 to i32
      %cond3A = arith.constant 0 : i32
      %cond3A_79 = arith.cmpi ne, %convert_element_type3A, %cond3A : i32
      scf.if %cond3A_79 {
        %add3A_1090 = arith.constant 0 : i32
        %add3A_1091 = arith.addi %mul3A_2, %add3A_1090 : i32
        %multiple_of3A_1092 = tpu.assume_multiple %add3A_1091, 512 : i32
        %dma_wait3A_1093 = arith.constant 0 : i32
        %dma_wait3A_1094 = arith.constant 0 : i32
        %dma_wait3A_1095 = arith.constant 0 : i32
        %dma_wait3A_1096 = arith.constant 0 : i32
        %dma_wait3A_1097 = tpu.memref_slice %arg6[%dma_wait3A_1093, %dma_wait3A_1095, %dma_wait3A_1096] : memref<2x512x64xf32, #tpu.memory_space<vmem>> -> memref<1x512x64xf32, #tpu.memory_space<vmem>>
        %dma_wait3A_1098 = tpu.memref_squeeze %dma_wait3A_1097 : memref<1x512x64xf32, #tpu.memory_space<vmem>> -> memref<512x64xf32, #tpu.memory_space<vmem>>
        %dma_wait3A_1099 = arith.constant 0 : i32
        %dma_wait3A_1100 = tpu.memref_slice %arg4[%multiple_of3A_1092, %dma_wait3A_1099] : memref<819200x128xf32, #tpu.memory_space<hbm>> -> memref<512x64xf32, #tpu.memory_space<hbm>>
        %dma_wait3A_1101 = tpu.memref_slice %arg9[%dma_wait3A_1094] : memref<2x!tpu.dma_semaphore, #tpu.memory_space<semaphore_mem>> -> memref<1x!tpu.dma_semaphore, #tpu.memory_space<semaphore_mem>>
        %dma_wait3A_1102 = tpu.memref_squeeze %dma_wait3A_1101 : memref<1x!tpu.dma_semaphore, #tpu.memory_space<semaphore_mem>> -> memref<!tpu.dma_semaphore, #tpu.memory_space<semaphore_mem>>
        %dma_wait3A_1103 = arith.constant 0 : i32
        %dma_wait3A_1104 = tpu.memref_slice %arg4[%multiple_of3A_1092, %dma_wait3A_1103] : memref<819200x128xf32, #tpu.memory_space<hbm>> -> memref<512x64xf32, #tpu.memory_space<hbm>>
        %dma_wait3A_1105 = arith.constant 0 : i32
        %dma_wait3A_1106 = arith.constant 0 : i32
        %dma_wait3A_1107 = tpu.memref_slice %arg6[%dma_wait3A_1093, %dma_wait3A_1105, %dma_wait3A_1106] : memref<2x512x64xf32, #tpu.memory_space<vmem>> -> memref<1x512x64xf32, #tpu.memory_space<vmem>>
        %dma_wait3A_1108 = tpu.memref_squeeze %dma_wait3A_1107 : memref<1x512x64xf32, #tpu.memory_space<vmem>> -> memref<512x64xf32, #tpu.memory_space<vmem>>
        tpu.wait_dma2 semaphore(%dma_wait3A_1102 : memref<!tpu.dma_semaphore, #tpu.memory_space<semaphore_mem>>) src(%dma_wait3A_1108 : memref<512x64xf32, #tpu.memory_space<vmem>>) dst(%dma_wait3A_1104 : memref<512x64xf32, #tpu.memory_space<hbm>>)
      } else {
      }
      %add3A_80 = arith.constant 0 : i32
      %add3A_81 = arith.addi %mul3A_2, %add3A_80 : i32
      %multiple_of3A_82 = tpu.assume_multiple %add3A_81, 512 : i32
      %dma_wait3A_83 = arith.constant 0 : i32
      %dma_wait3A_84 = arith.constant 0 : i32
      %dma_wait3A_85 = arith.constant 0 : i32
      %dma_wait3A_86 = tpu.memref_slice %arg5[%dma_wait3A_83, %dma_wait3A_85] : memref<2x512xi32, #tpu.memory_space<vmem>> -> memref<1x512xi32, #tpu.memory_space<vmem>>
      %dma_wait3A_87 = tpu.memref_squeeze %dma_wait3A_86 : memref<1x512xi32, #tpu.memory_space<vmem>> -> memref<512xi32, #tpu.memory_space<vmem>>
      %dma_wait3A_88 = tpu.memref_slice %arg2[%multiple_of3A_82] : memref<819200xi32, #tpu.memory_space<hbm>> -> memref<512xi32, #tpu.memory_space<hbm>>
      %dma_wait3A_89 = tpu.memref_slice %arg7[%dma_wait3A_84] : memref<2x!tpu.dma_semaphore, #tpu.memory_space<semaphore_mem>> -> memref<1x!tpu.dma_semaphore, #tpu.memory_space<semaphore_mem>>
      %dma_wait3A_90 = tpu.memref_squeeze %dma_wait3A_89 : memref<1x!tpu.dma_semaphore, #tpu.memory_space<semaphore_mem>> -> memref<!tpu.dma_semaphore, #tpu.memory_space<semaphore_mem>>
      %dma_wait3A_91 = arith.constant 0 : i32
      %dma_wait3A_92 = tpu.memref_slice %arg5[%dma_wait3A_83, %dma_wait3A_91] : memref<2x512xi32, #tpu.memory_space<vmem>> -> memref<1x512xi32, #tpu.memory_space<vmem>>
      %dma_wait3A_93 = tpu.memref_squeeze %dma_wait3A_92 : memref<1x512xi32, #tpu.memory_space<vmem>> -> memref<512xi32, #tpu.memory_space<vmem>>
      %dma_wait3A_94 = tpu.memref_slice %arg2[%multiple_of3A_82] : memref<819200xi32, #tpu.memory_space<hbm>> -> memref<512xi32, #tpu.memory_space<hbm>>
      tpu.wait_dma2 semaphore(%dma_wait3A_90 : memref<!tpu.dma_semaphore, #tpu.memory_space<semaphore_mem>>) src(%dma_wait3A_94 : memref<512xi32, #tpu.memory_space<hbm>>) dst(%dma_wait3A_93 : memref<512xi32, #tpu.memory_space<vmem>>)
      %get3A = arith.constant 0 : i32
      %get3A_95 = arith.index_cast %get3A : i32 to index
      %get3A_96 = arith.constant 0 : index
      %get3A_97 = tpu.vector_load %arg5[%get3A_95, %get3A_96] {strides = array<i32>} : memref<2x512xi32, #tpu.memory_space<vmem>>, vector<1x16xi32>,
      %get3A_98 = vector.shape_cast %get3A_97 : vector<1x16xi32> to vector<16xi32>
      %add3A_99 = arith.addi %get3A_98, %get3A_98 : vector<16xi32>
      %swap3A = arith.constant 0 : i32
      %swap3A_100 = arith.index_cast %swap3A : i32 to index
      %swap3A_101 = arith.constant 0 : index
      %swap3A_102 = tpu.vector_load %arg5[%swap3A_100, %swap3A_101] {strides = array<i32>} : memref<2x512xi32, #tpu.memory_space<vmem>>, vector<1x16xi32>,
      %swap3A_103 = vector.shape_cast %swap3A_102 : vector<1x16xi32> to vector<16xi32>
      %swap3A_104 = vector.shape_cast %add3A_99 : vector<16xi32> to vector<1x16xi32>
      tpu.vector_store %arg5[%swap3A_100, %swap3A_101], %swap3A_104 {strides = array<i32>} : memref<2x512xi32, #tpu.memory_space<vmem>>, vector<1x16xi32>,
      %get3A_105 = arith.constant 0 : i32
      %get3A_106 = arith.index_cast %get3A_105 : i32 to index
      %get3A_107 = arith.constant 16 : index
      %get3A_108 = tpu.vector_load %arg5[%get3A_106, %get3A_107] {strides = array<i32>} : memref<2x512xi32, #tpu.memory_space<vmem>>, vector<1x16xi32>,
      %get3A_109 = vector.shape_cast %get3A_108 : vector<1x16xi32> to vector<16xi32>
      %add3A_110 = arith.addi %get3A_109, %get3A_109 : vector<16xi32>
      %swap3A_111 = arith.constant 0 : i32
      %swap3A_112 = arith.index_cast %swap3A_111 : i32 to index
      %swap3A_113 = arith.constant 16 : index
      %swap3A_114 = tpu.vector_load %arg5[%swap3A_112, %swap3A_113] {strides = array<i32>} : memref<2x512xi32, #tpu.memory_space<vmem>>, vector<1x16xi32>,
      %swap3A_115 = vector.shape_cast %swap3A_114 : vector<1x16xi32> to vector<16xi32>
      %swap3A_116 = vector.shape_cast %add3A_110 : vector<16xi32> to vector<1x16xi32>
      tpu.vector_store %arg5[%swap3A_112, %swap3A_113], %swap3A_116 {strides = array<i32>} : memref<2x512xi32, #tpu.memory_space<vmem>>, vector<1x16xi32>,
      %get3A_117 = arith.constant 0 : i32
      %get3A_118 = arith.index_cast %get3A_117 : i32 to index
      %get3A_119 = arith.constant 32 : index
      %get3A_120 = tpu.vector_load %arg5[%get3A_118, %get3A_119] {strides = array<i32>} : memref<2x512xi32, #tpu.memory_space<vmem>>, vector<1x16xi32>,
      %get3A_121 = vector.shape_cast %get3A_120 : vector<1x16xi32> to vector<16xi32>
      %add3A_122 = arith.addi %get3A_121, %get3A_121 : vector<16xi32>
      %swap3A_123 = arith.constant 0 : i32
      %swap3A_124 = arith.index_cast %swap3A_123 : i32 to index
      %swap3A_125 = arith.constant 32 : index
      %swap3A_126 = tpu.vector_load %arg5[%swap3A_124, %swap3A_125] {strides = array<i32>} : memref<2x512xi32, #tpu.memory_space<vmem>>, vector<1x16xi32>,
      %swap3A_127 = vector.shape_cast %swap3A_126 : vector<1x16xi32> to vector<16xi32>
      %swap3A_128 = vector.shape_cast %add3A_122 : vector<16xi32> to vector<1x16xi32>
      tpu.vector_store %arg5[%swap3A_124, %swap3A_125], %swap3A_128 {strides = array<i32>} : memref<2x512xi32, #tpu.memory_space<vmem>>, vector<1x16xi32>,
      %get3A_129 = arith.constant 0 : i32
      %get3A_130 = arith.index_cast %get3A_129 : i32 to index
      %get3A_131 = arith.constant 48 : index
      %get3A_132 = tpu.vector_load %arg5[%get3A_130, %get3A_131] {strides = array<i32>} : memref<2x512xi32, #tpu.memory_space<vmem>>, vector<1x16xi32>,
      %get3A_133 = vector.shape_cast %get3A_132 : vector<1x16xi32> to vector<16xi32>
      %add3A_134 = arith.addi %get3A_133, %get3A_133 : vector<16xi32>
      %swap3A_135 = arith.constant 0 : i32
      %swap3A_136 = arith.index_cast %swap3A_135 : i32 to index
      %swap3A_137 = arith.constant 48 : index
      %swap3A_138 = tpu.vector_load %arg5[%swap3A_136, %swap3A_137] {strides = array<i32>} : memref<2x512xi32, #tpu.memory_space<vmem>>, vector<1x16xi32>,
      %swap3A_139 = vector.shape_cast %swap3A_138 : vector<1x16xi32> to vector<16xi32>
      %swap3A_140 = vector.shape_cast %add3A_134 : vector<16xi32> to vector<1x16xi32>
      tpu.vector_store %arg5[%swap3A_136, %swap3A_137], %swap3A_140 {strides = array<i32>} : memref<2x512xi32, #tpu.memory_space<vmem>>, vector<1x16xi32>,
      %get3A_141 = arith.constant 0 : i32
      %get3A_142 = arith.index_cast %get3A_141 : i32 to index
      %get3A_143 = arith.constant 64 : index
      %get3A_144 = tpu.vector_load %arg5[%get3A_142, %get3A_143] {strides = array<i32>} : memref<2x512xi32, #tpu.memory_space<vmem>>, vector<1x16xi32>,
      %get3A_145 = vector.shape_cast %get3A_144 : vector<1x16xi32> to vector<16xi32>
      %add3A_146 = arith.addi %get3A_145, %get3A_145 : vector<16xi32>
      %swap3A_147 = arith.constant 0 : i32
      %swap3A_148 = arith.index_cast %swap3A_147 : i32 to index
      %swap3A_149 = arith.constant 64 : index
      %swap3A_150 = tpu.vector_load %arg5[%swap3A_148, %swap3A_149] {strides = array<i32>} : memref<2x512xi32, #tpu.memory_space<vmem>>, vector<1x16xi32>,
      %swap3A_151 = vector.shape_cast %swap3A_150 : vector<1x16xi32> to vector<16xi32>
      %swap3A_152 = vector.shape_cast %add3A_146 : vector<16xi32> to vector<1x16xi32>
      tpu.vector_store %arg5[%swap3A_148, %swap3A_149], %swap3A_152 {strides = array<i32>} : memref<2x512xi32, #tpu.memory_space<vmem>>, vector<1x16xi32>,
      %get3A_153 = arith.constant 0 : i32
      %get3A_154 = arith.index_cast %get3A_153 : i32 to index
      %get3A_155 = arith.constant 80 : index
      %get3A_156 = tpu.vector_load %arg5[%get3A_154, %get3A_155] {strides = array<i32>} : memref<2x512xi32, #tpu.memory_space<vmem>>, vector<1x16xi32>,
      %get3A_157 = vector.shape_cast %get3A_156 : vector<1x16xi32> to vector<16xi32>
      %add3A_158 = arith.addi %get3A_157, %get3A_157 : vector<16xi32>
      %swap3A_159 = arith.constant 0 : i32
      %swap3A_160 = arith.index_cast %swap3A_159 : i32 to index
      %swap3A_161 = arith.constant 80 : index
      %swap3A_162 = tpu.vector_load %arg5[%swap3A_160, %swap3A_161] {strides = array<i32>} : memref<2x512xi32, #tpu.memory_space<vmem>>, vector<1x16xi32>,
      %swap3A_163 = vector.shape_cast %swap3A_162 : vector<1x16xi32> to vector<16xi32>
      %swap3A_164 = vector.shape_cast %add3A_158 : vector<16xi32> to vector<1x16xi32>
      tpu.vector_store %arg5[%swap3A_160, %swap3A_161], %swap3A_164 {strides = array<i32>} : memref<2x512xi32, #tpu.memory_space<vmem>>, vector<1x16xi32>,
      %get3A_165 = arith.constant 0 : i32
      %get3A_166 = arith.index_cast %get3A_165 : i32 to index
      %get3A_167 = arith.constant 96 : index
      %get3A_168 = tpu.vector_load %arg5[%get3A_166, %get3A_167] {strides = array<i32>} : memref<2x512xi32, #tpu.memory_space<vmem>>, vector<1x16xi32>,
      %get3A_169 = vector.shape_cast %get3A_168 : vector<1x16xi32> to vector<16xi32>
      %add3A_170 = arith.addi %get3A_169, %get3A_169 : vector<16xi32>
      %swap3A_171 = arith.constant 0 : i32
      %swap3A_172 = arith.index_cast %swap3A_171 : i32 to index
      %swap3A_173 = arith.constant 96 : index
      %swap3A_174 = tpu.vector_load %arg5[%swap3A_172, %swap3A_173] {strides = array<i32>} : memref<2x512xi32, #tpu.memory_space<vmem>>, vector<1x16xi32>,
      %swap3A_175 = vector.shape_cast %swap3A_174 : vector<1x16xi32> to vector<16xi32>
      %swap3A_176 = vector.shape_cast %add3A_170 : vector<16xi32> to vector<1x16xi32>
      tpu.vector_store %arg5[%swap3A_172, %swap3A_173], %swap3A_176 {strides = array<i32>} : memref<2x512xi32, #tpu.memory_space<vmem>>, vector<1x16xi32>,
      %get3A_177 = arith.constant 0 : i32
      %get3A_178 = arith.index_cast %get3A_177 : i32 to index
      %get3A_179 = arith.constant 112 : index
      %get3A_180 = tpu.vector_load %arg5[%get3A_178, %get3A_179] {strides = array<i32>} : memref<2x512xi32, #tpu.memory_space<vmem>>, vector<1x16xi32>,
      %get3A_181 = vector.shape_cast %get3A_180 : vector<1x16xi32> to vector<16xi32>
      %add3A_182 = arith.addi %get3A_181, %get3A_181 : vector<16xi32>
      %swap3A_183 = arith.constant 0 : i32
      %swap3A_184 = arith.index_cast %swap3A_183 : i32 to index
      %swap3A_185 = arith.constant 112 : index
      %swap3A_186 = tpu.vector_load %arg5[%swap3A_184, %swap3A_185] {strides = array<i32>} : memref<2x512xi32, #tpu.memory_space<vmem>>, vector<1x16xi32>,
      %swap3A_187 = vector.shape_cast %swap3A_186 : vector<1x16xi32> to vector<16xi32>
      %swap3A_188 = vector.shape_cast %add3A_182 : vector<16xi32> to vector<1x16xi32>
      tpu.vector_store %arg5[%swap3A_184, %swap3A_185], %swap3A_188 {strides = array<i32>} : memref<2x512xi32, #tpu.memory_space<vmem>>, vector<1x16xi32>,
      %get3A_189 = arith.constant 0 : i32
      %get3A_190 = arith.index_cast %get3A_189 : i32 to index
      %get3A_191 = arith.constant 128 : index
      %get3A_192 = tpu.vector_load %arg5[%get3A_190, %get3A_191] {strides = array<i32>} : memref<2x512xi32, #tpu.memory_space<vmem>>, vector<1x16xi32>,
      %get3A_193 = vector.shape_cast %get3A_192 : vector<1x16xi32> to vector<16xi32>
      %add3A_194 = arith.addi %get3A_193, %get3A_193 : vector<16xi32>
      %swap3A_195 = arith.constant 0 : i32
      %swap3A_196 = arith.index_cast %swap3A_195 : i32 to index
      %swap3A_197 = arith.constant 128 : index
      %swap3A_198 = tpu.vector_load %arg5[%swap3A_196, %swap3A_197] {strides = array<i32>} : memref<2x512xi32, #tpu.memory_space<vmem>>, vector<1x16xi32>,
      %swap3A_199 = vector.shape_cast %swap3A_198 : vector<1x16xi32> to vector<16xi32>
      %swap3A_200 = vector.shape_cast %add3A_194 : vector<16xi32> to vector<1x16xi32>
      tpu.vector_store %arg5[%swap3A_196, %swap3A_197], %swap3A_200 {strides = array<i32>} : memref<2x512xi32, #tpu.memory_space<vmem>>, vector<1x16xi32>,
      %get3A_201 = arith.constant 0 : i32
      %get3A_202 = arith.index_cast %get3A_201 : i32 to index
      %get3A_203 = arith.constant 144 : index
      %get3A_204 = tpu.vector_load %arg5[%get3A_202, %get3A_203] {strides = array<i32>} : memref<2x512xi32, #tpu.memory_space<vmem>>, vector<1x16xi32>,
      %get3A_205 = vector.shape_cast %get3A_204 : vector<1x16xi32> to vector<16xi32>
      %add3A_206 = arith.addi %get3A_205, %get3A_205 : vector<16xi32>
      %swap3A_207 = arith.constant 0 : i32
      %swap3A_208 = arith.index_cast %swap3A_207 : i32 to index
      %swap3A_209 = arith.constant 144 : index
      %swap3A_210 = tpu.vector_load %arg5[%swap3A_208, %swap3A_209] {strides = array<i32>} : memref<2x512xi32, #tpu.memory_space<vmem>>, vector<1x16xi32>,
      %swap3A_211 = vector.shape_cast %swap3A_210 : vector<1x16xi32> to vector<16xi32>
      %swap3A_212 = vector.shape_cast %add3A_206 : vector<16xi32> to vector<1x16xi32>
      tpu.vector_store %arg5[%swap3A_208, %swap3A_209], %swap3A_212 {strides = array<i32>} : memref<2x512xi32, #tpu.memory_space<vmem>>, vector<1x16xi32>,
      %get3A_213 = arith.constant 0 : i32
      %get3A_214 = arith.index_cast %get3A_213 : i32 to index
      %get3A_215 = arith.constant 160 : index
      %get3A_216 = tpu.vector_load %arg5[%get3A_214, %get3A_215] {strides = array<i32>} : memref<2x512xi32, #tpu.memory_space<vmem>>, vector<1x16xi32>,
      %get3A_217 = vector.shape_cast %get3A_216 : vector<1x16xi32> to vector<16xi32>
      %add3A_218 = arith.addi %get3A_217, %get3A_217 : vector<16xi32>
      %swap3A_219 = arith.constant 0 : i32
      %swap3A_220 = arith.index_cast %swap3A_219 : i32 to index
      %swap3A_221 = arith.constant 160 : index
      %swap3A_222 = tpu.vector_load %arg5[%swap3A_220, %swap3A_221] {strides = array<i32>} : memref<2x512xi32, #tpu.memory_space<vmem>>, vector<1x16xi32>,
      %swap3A_223 = vector.shape_cast %swap3A_222 : vector<1x16xi32> to vector<16xi32>
      %swap3A_224 = vector.shape_cast %add3A_218 : vector<16xi32> to vector<1x16xi32>
      tpu.vector_store %arg5[%swap3A_220, %swap3A_221], %swap3A_224 {strides = array<i32>} : memref<2x512xi32, #tpu.memory_space<vmem>>, vector<1x16xi32>,
      %get3A_225 = arith.constant 0 : i32
      %get3A_226 = arith.index_cast %get3A_225 : i32 to index
      %get3A_227 = arith.constant 176 : index
      %get3A_228 = tpu.vector_load %arg5[%get3A_226, %get3A_227] {strides = array<i32>} : memref<2x512xi32, #tpu.memory_space<vmem>>, vector<1x16xi32>,
      %get3A_229 = vector.shape_cast %get3A_228 : vector<1x16xi32> to vector<16xi32>
      %add3A_230 = arith.addi %get3A_229, %get3A_229 : vector<16xi32>
      %swap3A_231 = arith.constant 0 : i32
      %swap3A_232 = arith.index_cast %swap3A_231 : i32 to index
      %swap3A_233 = arith.constant 176 : index
      %swap3A_234 = tpu.vector_load %arg5[%swap3A_232, %swap3A_233] {strides = array<i32>} : memref<2x512xi32, #tpu.memory_space<vmem>>, vector<1x16xi32>,
      %swap3A_235 = vector.shape_cast %swap3A_234 : vector<1x16xi32> to vector<16xi32>
      %swap3A_236 = vector.shape_cast %add3A_230 : vector<16xi32> to vector<1x16xi32>
      tpu.vector_store %arg5[%swap3A_232, %swap3A_233], %swap3A_236 {strides = array<i32>} : memref<2x512xi32, #tpu.memory_space<vmem>>, vector<1x16xi32>,
      %get3A_237 = arith.constant 0 : i32
      %get3A_238 = arith.index_cast %get3A_237 : i32 to index
      %get3A_239 = arith.constant 192 : index
      %get3A_240 = tpu.vector_load %arg5[%get3A_238, %get3A_239] {strides = array<i32>} : memref<2x512xi32, #tpu.memory_space<vmem>>, vector<1x16xi32>,
      %get3A_241 = vector.shape_cast %get3A_240 : vector<1x16xi32> to vector<16xi32>
      %add3A_242 = arith.addi %get3A_241, %get3A_241 : vector<16xi32>
      %swap3A_243 = arith.constant 0 : i32
      %swap3A_244 = arith.index_cast %swap3A_243 : i32 to index
      %swap3A_245 = arith.constant 192 : index
      %swap3A_246 = tpu.vector_load %arg5[%swap3A_244, %swap3A_245] {strides = array<i32>} : memref<2x512xi32, #tpu.memory_space<vmem>>, vector<1x16xi32>,
      %swap3A_247 = vector.shape_cast %swap3A_246 : vector<1x16xi32> to vector<16xi32>
      %swap3A_248 = vector.shape_cast %add3A_242 : vector<16xi32> to vector<1x16xi32>
      tpu.vector_store %arg5[%swap3A_244, %swap3A_245], %swap3A_248 {strides = array<i32>} : memref<2x512xi32, #tpu.memory_space<vmem>>, vector<1x16xi32>,
      %get3A_249 = arith.constant 0 : i32
      %get3A_250 = arith.index_cast %get3A_249 : i32 to index
      %get3A_251 = arith.constant 208 : index
      %get3A_252 = tpu.vector_load %arg5[%get3A_250, %get3A_251] {strides = array<i32>} : memref<2x512xi32, #tpu.memory_space<vmem>>, vector<1x16xi32>,
      %get3A_253 = vector.shape_cast %get3A_252 : vector<1x16xi32> to vector<16xi32>
      %add3A_254 = arith.addi %get3A_253, %get3A_253 : vector<16xi32>
      %swap3A_255 = arith.constant 0 : i32
      %swap3A_256 = arith.index_cast %swap3A_255 : i32 to index
      %swap3A_257 = arith.constant 208 : index
      %swap3A_258 = tpu.vector_load %arg5[%swap3A_256, %swap3A_257] {strides = array<i32>} : memref<2x512xi32, #tpu.memory_space<vmem>>, vector<1x16xi32>,
      %swap3A_259 = vector.shape_cast %swap3A_258 : vector<1x16xi32> to vector<16xi32>
      %swap3A_260 = vector.shape_cast %add3A_254 : vector<16xi32> to vector<1x16xi32>
      tpu.vector_store %arg5[%swap3A_256, %swap3A_257], %swap3A_260 {strides = array<i32>} : memref<2x512xi32, #tpu.memory_space<vmem>>, vector<1x16xi32>,
      %get3A_261 = arith.constant 0 : i32
      %get3A_262 = arith.index_cast %get3A_261 : i32 to index
      %get3A_263 = arith.constant 224 : index
      %get3A_264 = tpu.vector_load %arg5[%get3A_262, %get3A_263] {strides = array<i32>} : memref<2x512xi32, #tpu.memory_space<vmem>>, vector<1x16xi32>,
      %get3A_265 = vector.shape_cast %get3A_264 : vector<1x16xi32> to vector<16xi32>
      %add3A_266 = arith.addi %get3A_265, %get3A_265 : vector<16xi32>
      %swap3A_267 = arith.constant 0 : i32
      %swap3A_268 = arith.index_cast %swap3A_267 : i32 to index
      %swap3A_269 = arith.constant 224 : index
      %swap3A_270 = tpu.vector_load %arg5[%swap3A_268, %swap3A_269] {strides = array<i32>} : memref<2x512xi32, #tpu.memory_space<vmem>>, vector<1x16xi32>,
      %swap3A_271 = vector.shape_cast %swap3A_270 : vector<1x16xi32> to vector<16xi32>
      %swap3A_272 = vector.shape_cast %add3A_266 : vector<16xi32> to vector<1x16xi32>
      tpu.vector_store %arg5[%swap3A_268, %swap3A_269], %swap3A_272 {strides = array<i32>} : memref<2x512xi32, #tpu.memory_space<vmem>>, vector<1x16xi32>,
      %get3A_273 = arith.constant 0 : i32
      %get3A_274 = arith.index_cast %get3A_273 : i32 to index
      %get3A_275 = arith.constant 240 : index
      %get3A_276 = tpu.vector_load %arg5[%get3A_274, %get3A_275] {strides = array<i32>} : memref<2x512xi32, #tpu.memory_space<vmem>>, vector<1x16xi32>,
      %get3A_277 = vector.shape_cast %get3A_276 : vector<1x16xi32> to vector<16xi32>
      %add3A_278 = arith.addi %get3A_277, %get3A_277 : vector<16xi32>
      %swap3A_279 = arith.constant 0 : i32
      %swap3A_280 = arith.index_cast %swap3A_279 : i32 to index
      %swap3A_281 = arith.constant 240 : index
      %swap3A_282 = tpu.vector_load %arg5[%swap3A_280, %swap3A_281] {strides = array<i32>} : memref<2x512xi32, #tpu.memory_space<vmem>>, vector<1x16xi32>,
      %swap3A_283 = vector.shape_cast %swap3A_282 : vector<1x16xi32> to vector<16xi32>
      %swap3A_284 = vector.shape_cast %add3A_278 : vector<16xi32> to vector<1x16xi32>
      tpu.vector_store %arg5[%swap3A_280, %swap3A_281], %swap3A_284 {strides = array<i32>} : memref<2x512xi32, #tpu.memory_space<vmem>>, vector<1x16xi32>,
      %get3A_285 = arith.constant 0 : i32
      %get3A_286 = arith.index_cast %get3A_285 : i32 to index
      %get3A_287 = arith.constant 256 : index
      %get3A_288 = tpu.vector_load %arg5[%get3A_286, %get3A_287] {strides = array<i32>} : memref<2x512xi32, #tpu.memory_space<vmem>>, vector<1x16xi32>,
      %get3A_289 = vector.shape_cast %get3A_288 : vector<1x16xi32> to vector<16xi32>
      %add3A_290 = arith.addi %get3A_289, %get3A_289 : vector<16xi32>
      %swap3A_291 = arith.constant 0 : i32
      %swap3A_292 = arith.index_cast %swap3A_291 : i32 to index
      %swap3A_293 = arith.constant 256 : index
      %swap3A_294 = tpu.vector_load %arg5[%swap3A_292, %swap3A_293] {strides = array<i32>} : memref<2x512xi32, #tpu.memory_space<vmem>>, vector<1x16xi32>,
      %swap3A_295 = vector.shape_cast %swap3A_294 : vector<1x16xi32> to vector<16xi32>
      %swap3A_296 = vector.shape_cast %add3A_290 : vector<16xi32> to vector<1x16xi32>
      tpu.vector_store %arg5[%swap3A_292, %swap3A_293], %swap3A_296 {strides = array<i32>} : memref<2x512xi32, #tpu.memory_space<vmem>>, vector<1x16xi32>,
      %get3A_297 = arith.constant 0 : i32
      %get3A_298 = arith.index_cast %get3A_297 : i32 to index
      %get3A_299 = arith.constant 272 : index
      %get3A_300 = tpu.vector_load %arg5[%get3A_298, %get3A_299] {strides = array<i32>} : memref<2x512xi32, #tpu.memory_space<vmem>>, vector<1x16xi32>,
      %get3A_301 = vector.shape_cast %get3A_300 : vector<1x16xi32> to vector<16xi32>
      %add3A_302 = arith.addi %get3A_301, %get3A_301 : vector<16xi32>
      %swap3A_303 = arith.constant 0 : i32
      %swap3A_304 = arith.index_cast %swap3A_303 : i32 to index
      %swap3A_305 = arith.constant 272 : index
      %swap3A_306 = tpu.vector_load %arg5[%swap3A_304, %swap3A_305] {strides = array<i32>} : memref<2x512xi32, #tpu.memory_space<vmem>>, vector<1x16xi32>,
      %swap3A_307 = vector.shape_cast %swap3A_306 : vector<1x16xi32> to vector<16xi32>
      %swap3A_308 = vector.shape_cast %add3A_302 : vector<16xi32> to vector<1x16xi32>
      tpu.vector_store %arg5[%swap3A_304, %swap3A_305], %swap3A_308 {strides = array<i32>} : memref<2x512xi32, #tpu.memory_space<vmem>>, vector<1x16xi32>,
      %get3A_309 = arith.constant 0 : i32
      %get3A_310 = arith.index_cast %get3A_309 : i32 to index
      %get3A_311 = arith.constant 288 : index
      %get3A_312 = tpu.vector_load %arg5[%get3A_310, %get3A_311] {strides = array<i32>} : memref<2x512xi32, #tpu.memory_space<vmem>>, vector<1x16xi32>,
      %get3A_313 = vector.shape_cast %get3A_312 : vector<1x16xi32> to vector<16xi32>
      %add3A_314 = arith.addi %get3A_313, %get3A_313 : vector<16xi32>
      %swap3A_315 = arith.constant 0 : i32
      %swap3A_316 = arith.index_cast %swap3A_315 : i32 to index
      %swap3A_317 = arith.constant 288 : index
      %swap3A_318 = tpu.vector_load %arg5[%swap3A_316, %swap3A_317] {strides = array<i32>} : memref<2x512xi32, #tpu.memory_space<vmem>>, vector<1x16xi32>,
      %swap3A_319 = vector.shape_cast %swap3A_318 : vector<1x16xi32> to vector<16xi32>
      %swap3A_320 = vector.shape_cast %add3A_314 : vector<16xi32> to vector<1x16xi32>
      tpu.vector_store %arg5[%swap3A_316, %swap3A_317], %swap3A_320 {strides = array<i32>} : memref<2x512xi32, #tpu.memory_space<vmem>>, vector<1x16xi32>,
      %get3A_321 = arith.constant 0 : i32
      %get3A_322 = arith.index_cast %get3A_321 : i32 to index
      %get3A_323 = arith.constant 304 : index
      %get3A_324 = tpu.vector_load %arg5[%get3A_322, %get3A_323] {strides = array<i32>} : memref<2x512xi32, #tpu.memory_space<vmem>>, vector<1x16xi32>,
      %get3A_325 = vector.shape_cast %get3A_324 : vector<1x16xi32> to vector<16xi32>
      %add3A_326 = arith.addi %get3A_325, %get3A_325 : vector<16xi32>
      %swap3A_327 = arith.constant 0 : i32
      %swap3A_328 = arith.index_cast %swap3A_327 : i32 to index
      %swap3A_329 = arith.constant 304 : index
      %swap3A_330 = tpu.vector_load %arg5[%swap3A_328, %swap3A_329] {strides = array<i32>} : memref<2x512xi32, #tpu.memory_space<vmem>>, vector<1x16xi32>,
      %swap3A_331 = vector.shape_cast %swap3A_330 : vector<1x16xi32> to vector<16xi32>
      %swap3A_332 = vector.shape_cast %add3A_326 : vector<16xi32> to vector<1x16xi32>
      tpu.vector_store %arg5[%swap3A_328, %swap3A_329], %swap3A_332 {strides = array<i32>} : memref<2x512xi32, #tpu.memory_space<vmem>>, vector<1x16xi32>,
      %get3A_333 = arith.constant 0 : i32
      %get3A_334 = arith.index_cast %get3A_333 : i32 to index
      %get3A_335 = arith.constant 320 : index
      %get3A_336 = tpu.vector_load %arg5[%get3A_334, %get3A_335] {strides = array<i32>} : memref<2x512xi32, #tpu.memory_space<vmem>>, vector<1x16xi32>,
      %get3A_337 = vector.shape_cast %get3A_336 : vector<1x16xi32> to vector<16xi32>
      %add3A_338 = arith.addi %get3A_337, %get3A_337 : vector<16xi32>
      %swap3A_339 = arith.constant 0 : i32
      %swap3A_340 = arith.index_cast %swap3A_339 : i32 to index
      %swap3A_341 = arith.constant 320 : index
      %swap3A_342 = tpu.vector_load %arg5[%swap3A_340, %swap3A_341] {strides = array<i32>} : memref<2x512xi32, #tpu.memory_space<vmem>>, vector<1x16xi32>,
      %swap3A_343 = vector.shape_cast %swap3A_342 : vector<1x16xi32> to vector<16xi32>
      %swap3A_344 = vector.shape_cast %add3A_338 : vector<16xi32> to vector<1x16xi32>
      tpu.vector_store %arg5[%swap3A_340, %swap3A_341], %swap3A_344 {strides = array<i32>} : memref<2x512xi32, #tpu.memory_space<vmem>>, vector<1x16xi32>,
      %get3A_345 = arith.constant 0 : i32
      %get3A_346 = arith.index_cast %get3A_345 : i32 to index
      %get3A_347 = arith.constant 336 : index
      %get3A_348 = tpu.vector_load %arg5[%get3A_346, %get3A_347] {strides = array<i32>} : memref<2x512xi32, #tpu.memory_space<vmem>>, vector<1x16xi32>,
      %get3A_349 = vector.shape_cast %get3A_348 : vector<1x16xi32> to vector<16xi32>
      %add3A_350 = arith.addi %get3A_349, %get3A_349 : vector<16xi32>
      %swap3A_351 = arith.constant 0 : i32
      %swap3A_352 = arith.index_cast %swap3A_351 : i32 to index
      %swap3A_353 = arith.constant 336 : index
      %swap3A_354 = tpu.vector_load %arg5[%swap3A_352, %swap3A_353] {strides = array<i32>} : memref<2x512xi32, #tpu.memory_space<vmem>>, vector<1x16xi32>,
      %swap3A_355 = vector.shape_cast %swap3A_354 : vector<1x16xi32> to vector<16xi32>
      %swap3A_356 = vector.shape_cast %add3A_350 : vector<16xi32> to vector<1x16xi32>
      tpu.vector_store %arg5[%swap3A_352, %swap3A_353], %swap3A_356 {strides = array<i32>} : memref<2x512xi32, #tpu.memory_space<vmem>>, vector<1x16xi32>,
      %get3A_357 = arith.constant 0 : i32
      %get3A_358 = arith.index_cast %get3A_357 : i32 to index
      %get3A_359 = arith.constant 352 : index
      %get3A_360 = tpu.vector_load %arg5[%get3A_358, %get3A_359] {strides = array<i32>} : memref<2x512xi32, #tpu.memory_space<vmem>>, vector<1x16xi32>,
      %get3A_361 = vector.shape_cast %get3A_360 : vector<1x16xi32> to vector<16xi32>
      %add3A_362 = arith.addi %get3A_361, %get3A_361 : vector<16xi32>
      %swap3A_363 = arith.constant 0 : i32
      %swap3A_364 = arith.index_cast %swap3A_363 : i32 to index
      %swap3A_365 = arith.constant 352 : index
      %swap3A_366 = tpu.vector_load %arg5[%swap3A_364, %swap3A_365] {strides = array<i32>} : memref<2x512xi32, #tpu.memory_space<vmem>>, vector<1x16xi32>,
      %swap3A_367 = vector.shape_cast %swap3A_366 : vector<1x16xi32> to vector<16xi32>
      %swap3A_368 = vector.shape_cast %add3A_362 : vector<16xi32> to vector<1x16xi32>
      tpu.vector_store %arg5[%swap3A_364, %swap3A_365], %swap3A_368 {strides = array<i32>} : memref<2x512xi32, #tpu.memory_space<vmem>>, vector<1x16xi32>,
      %get3A_369 = arith.constant 0 : i32
      %get3A_370 = arith.index_cast %get3A_369 : i32 to index
      %get3A_371 = arith.constant 368 : index
      %get3A_372 = tpu.vector_load %arg5[%get3A_370, %get3A_371] {strides = array<i32>} : memref<2x512xi32, #tpu.memory_space<vmem>>, vector<1x16xi32>,
      %get3A_373 = vector.shape_cast %get3A_372 : vector<1x16xi32> to vector<16xi32>
      %add3A_374 = arith.addi %get3A_373, %get3A_373 : vector<16xi32>
      %swap3A_375 = arith.constant 0 : i32
      %swap3A_376 = arith.index_cast %swap3A_375 : i32 to index
      %swap3A_377 = arith.constant 368 : index
      %swap3A_378 = tpu.vector_load %arg5[%swap3A_376, %swap3A_377] {strides = array<i32>} : memref<2x512xi32, #tpu.memory_space<vmem>>, vector<1x16xi32>,
      %swap3A_379 = vector.shape_cast %swap3A_378 : vector<1x16xi32> to vector<16xi32>
      %swap3A_380 = vector.shape_cast %add3A_374 : vector<16xi32> to vector<1x16xi32>
      tpu.vector_store %arg5[%swap3A_376, %swap3A_377], %swap3A_380 {strides = array<i32>} : memref<2x512xi32, #tpu.memory_space<vmem>>, vector<1x16xi32>,
      %get3A_381 = arith.constant 0 : i32
      %get3A_382 = arith.index_cast %get3A_381 : i32 to index
      %get3A_383 = arith.constant 384 : index
      %get3A_384 = tpu.vector_load %arg5[%get3A_382, %get3A_383] {strides = array<i32>} : memref<2x512xi32, #tpu.memory_space<vmem>>, vector<1x16xi32>,
      %get3A_385 = vector.shape_cast %get3A_384 : vector<1x16xi32> to vector<16xi32>
      %add3A_386 = arith.addi %get3A_385, %get3A_385 : vector<16xi32>
      %swap3A_387 = arith.constant 0 : i32
      %swap3A_388 = arith.index_cast %swap3A_387 : i32 to index
      %swap3A_389 = arith.constant 384 : index
      %swap3A_390 = tpu.vector_load %arg5[%swap3A_388, %swap3A_389] {strides = array<i32>} : memref<2x512xi32, #tpu.memory_space<vmem>>, vector<1x16xi32>,
      %swap3A_391 = vector.shape_cast %swap3A_390 : vector<1x16xi32> to vector<16xi32>
      %swap3A_392 = vector.shape_cast %add3A_386 : vector<16xi32> to vector<1x16xi32>
      tpu.vector_store %arg5[%swap3A_388, %swap3A_389], %swap3A_392 {strides = array<i32>} : memref<2x512xi32, #tpu.memory_space<vmem>>, vector<1x16xi32>,
      %get3A_393 = arith.constant 0 : i32
      %get3A_394 = arith.index_cast %get3A_393 : i32 to index
      %get3A_395 = arith.constant 400 : index
      %get3A_396 = tpu.vector_load %arg5[%get3A_394, %get3A_395] {strides = array<i32>} : memref<2x512xi32, #tpu.memory_space<vmem>>, vector<1x16xi32>,
      %get3A_397 = vector.shape_cast %get3A_396 : vector<1x16xi32> to vector<16xi32>
      %add3A_398 = arith.addi %get3A_397, %get3A_397 : vector<16xi32>
      %swap3A_399 = arith.constant 0 : i32
      %swap3A_400 = arith.index_cast %swap3A_399 : i32 to index
      %swap3A_401 = arith.constant 400 : index
      %swap3A_402 = tpu.vector_load %arg5[%swap3A_400, %swap3A_401] {strides = array<i32>} : memref<2x512xi32, #tpu.memory_space<vmem>>, vector<1x16xi32>,
      %swap3A_403 = vector.shape_cast %swap3A_402 : vector<1x16xi32> to vector<16xi32>
      %swap3A_404 = vector.shape_cast %add3A_398 : vector<16xi32> to vector<1x16xi32>
      tpu.vector_store %arg5[%swap3A_400, %swap3A_401], %swap3A_404 {strides = array<i32>} : memref<2x512xi32, #tpu.memory_space<vmem>>, vector<1x16xi32>,
      %get3A_405 = arith.constant 0 : i32
      %get3A_406 = arith.index_cast %get3A_405 : i32 to index
      %get3A_407 = arith.constant 416 : index
      %get3A_408 = tpu.vector_load %arg5[%get3A_406, %get3A_407] {strides = array<i32>} : memref<2x512xi32, #tpu.memory_space<vmem>>, vector<1x16xi32>,
      %get3A_409 = vector.shape_cast %get3A_408 : vector<1x16xi32> to vector<16xi32>
      %add3A_410 = arith.addi %get3A_409, %get3A_409 : vector<16xi32>
      %swap3A_411 = arith.constant 0 : i32
      %swap3A_412 = arith.index_cast %swap3A_411 : i32 to index
      %swap3A_413 = arith.constant 416 : index
      %swap3A_414 = tpu.vector_load %arg5[%swap3A_412, %swap3A_413] {strides = array<i32>} : memref<2x512xi32, #tpu.memory_space<vmem>>, vector<1x16xi32>,
      %swap3A_415 = vector.shape_cast %swap3A_414 : vector<1x16xi32> to vector<16xi32>
      %swap3A_416 = vector.shape_cast %add3A_410 : vector<16xi32> to vector<1x16xi32>
      tpu.vector_store %arg5[%swap3A_412, %swap3A_413], %swap3A_416 {strides = array<i32>} : memref<2x512xi32, #tpu.memory_space<vmem>>, vector<1x16xi32>,
      %get3A_417 = arith.constant 0 : i32
      %get3A_418 = arith.index_cast %get3A_417 : i32 to index
      %get3A_419 = arith.constant 432 : index
      %get3A_420 = tpu.vector_load %arg5[%get3A_418, %get3A_419] {strides = array<i32>} : memref<2x512xi32, #tpu.memory_space<vmem>>, vector<1x16xi32>,
      %get3A_421 = vector.shape_cast %get3A_420 : vector<1x16xi32> to vector<16xi32>
      %add3A_422 = arith.addi %get3A_421, %get3A_421 : vector<16xi32>
      %swap3A_423 = arith.constant 0 : i32
      %swap3A_424 = arith.index_cast %swap3A_423 : i32 to index
      %swap3A_425 = arith.constant 432 : index
      %swap3A_426 = tpu.vector_load %arg5[%swap3A_424, %swap3A_425] {strides = array<i32>} : memref<2x512xi32, #tpu.memory_space<vmem>>, vector<1x16xi32>,
      %swap3A_427 = vector.shape_cast %swap3A_426 : vector<1x16xi32> to vector<16xi32>
      %swap3A_428 = vector.shape_cast %add3A_422 : vector<16xi32> to vector<1x16xi32>
      tpu.vector_store %arg5[%swap3A_424, %swap3A_425], %swap3A_428 {strides = array<i32>} : memref<2x512xi32, #tpu.memory_space<vmem>>, vector<1x16xi32>,
      %get3A_429 = arith.constant 0 : i32
      %get3A_430 = arith.index_cast %get3A_429 : i32 to index
      %get3A_431 = arith.constant 448 : index
      %get3A_432 = tpu.vector_load %arg5[%get3A_430, %get3A_431] {strides = array<i32>} : memref<2x512xi32, #tpu.memory_space<vmem>>, vector<1x16xi32>,
      %get3A_433 = vector.shape_cast %get3A_432 : vector<1x16xi32> to vector<16xi32>
      %add3A_434 = arith.addi %get3A_433, %get3A_433 : vector<16xi32>
      %swap3A_435 = arith.constant 0 : i32
      %swap3A_436 = arith.index_cast %swap3A_435 : i32 to index
      %swap3A_437 = arith.constant 448 : index
      %swap3A_438 = tpu.vector_load %arg5[%swap3A_436, %swap3A_437] {strides = array<i32>} : memref<2x512xi32, #tpu.memory_space<vmem>>, vector<1x16xi32>,
      %swap3A_439 = vector.shape_cast %swap3A_438 : vector<1x16xi32> to vector<16xi32>
      %swap3A_440 = vector.shape_cast %add3A_434 : vector<16xi32> to vector<1x16xi32>
      tpu.vector_store %arg5[%swap3A_436, %swap3A_437], %swap3A_440 {strides = array<i32>} : memref<2x512xi32, #tpu.memory_space<vmem>>, vector<1x16xi32>,
      %get3A_441 = arith.constant 0 : i32
      %get3A_442 = arith.index_cast %get3A_441 : i32 to index
      %get3A_443 = arith.constant 464 : index
      %get3A_444 = tpu.vector_load %arg5[%get3A_442, %get3A_443] {strides = array<i32>} : memref<2x512xi32, #tpu.memory_space<vmem>>, vector<1x16xi32>,
      %get3A_445 = vector.shape_cast %get3A_444 : vector<1x16xi32> to vector<16xi32>
      %add3A_446 = arith.addi %get3A_445, %get3A_445 : vector<16xi32>
      %swap3A_447 = arith.constant 0 : i32
      %swap3A_448 = arith.index_cast %swap3A_447 : i32 to index
      %swap3A_449 = arith.constant 464 : index
      %swap3A_450 = tpu.vector_load %arg5[%swap3A_448, %swap3A_449] {strides = array<i32>} : memref<2x512xi32, #tpu.memory_space<vmem>>, vector<1x16xi32>,
      %swap3A_451 = vector.shape_cast %swap3A_450 : vector<1x16xi32> to vector<16xi32>
      %swap3A_452 = vector.shape_cast %add3A_446 : vector<16xi32> to vector<1x16xi32>
      tpu.vector_store %arg5[%swap3A_448, %swap3A_449], %swap3A_452 {strides = array<i32>} : memref<2x512xi32, #tpu.memory_space<vmem>>, vector<1x16xi32>,
      %get3A_453 = arith.constant 0 : i32
      %get3A_454 = arith.index_cast %get3A_453 : i32 to index
      %get3A_455 = arith.constant 480 : index
      %get3A_456 = tpu.vector_load %arg5[%get3A_454, %get3A_455] {strides = array<i32>} : memref<2x512xi32, #tpu.memory_space<vmem>>, vector<1x16xi32>,
      %get3A_457 = vector.shape_cast %get3A_456 : vector<1x16xi32> to vector<16xi32>
      %add3A_458 = arith.addi %get3A_457, %get3A_457 : vector<16xi32>
      %swap3A_459 = arith.constant 0 : i32
      %swap3A_460 = arith.index_cast %swap3A_459 : i32 to index
      %swap3A_461 = arith.constant 480 : index
      %swap3A_462 = tpu.vector_load %arg5[%swap3A_460, %swap3A_461] {strides = array<i32>} : memref<2x512xi32, #tpu.memory_space<vmem>>, vector<1x16xi32>,
      %swap3A_463 = vector.shape_cast %swap3A_462 : vector<1x16xi32> to vector<16xi32>
      %swap3A_464 = vector.shape_cast %add3A_458 : vector<16xi32> to vector<1x16xi32>
      tpu.vector_store %arg5[%swap3A_460, %swap3A_461], %swap3A_464 {strides = array<i32>} : memref<2x512xi32, #tpu.memory_space<vmem>>, vector<1x16xi32>,
      %get3A_465 = arith.constant 0 : i32
      %get3A_466 = arith.index_cast %get3A_465 : i32 to index
      %get3A_467 = arith.constant 496 : index
      %get3A_468 = tpu.vector_load %arg5[%get3A_466, %get3A_467] {strides = array<i32>} : memref<2x512xi32, #tpu.memory_space<vmem>>, vector<1x16xi32>,
      %get3A_469 = vector.shape_cast %get3A_468 : vector<1x16xi32> to vector<16xi32>
      %add3A_470 = arith.addi %get3A_469, %get3A_469 : vector<16xi32>
      %swap3A_471 = arith.constant 0 : i32
      %swap3A_472 = arith.index_cast %swap3A_471 : i32 to index
      %swap3A_473 = arith.constant 496 : index
      %swap3A_474 = tpu.vector_load %arg5[%swap3A_472, %swap3A_473] {strides = array<i32>} : memref<2x512xi32, #tpu.memory_space<vmem>>, vector<1x16xi32>,
      %swap3A_475 = vector.shape_cast %swap3A_474 : vector<1x16xi32> to vector<16xi32>
      %swap3A_476 = vector.shape_cast %add3A_470 : vector<16xi32> to vector<1x16xi32>
      tpu.vector_store %arg5[%swap3A_472, %swap3A_473], %swap3A_476 {strides = array<i32>} : memref<2x512xi32, #tpu.memory_space<vmem>>, vector<1x16xi32>,
      %dma_start3A_477 = arith.constant 0 : i32
      %dma_start3A_478 = arith.constant 0 : i32
      %dma_start3A_479 = arith.constant 0 : i32
      %dma_start3A_480 = arith.constant 0 : i32
      %dma_start3A_481 = arith.constant 0 : i32
      %dma_start3A_482 = tpu.memref_slice %arg6[%dma_start3A_478, %dma_start3A_480, %dma_start3A_481] : memref<2x512x64xf32, #tpu.memory_space<vmem>> -> memref<1x128x64xf32, #tpu.memory_space<vmem>>
      %dma_start3A_483 = tpu.memref_squeeze %dma_start3A_482 : memref<1x128x64xf32, #tpu.memory_space<vmem>> -> memref<128x64xf32, #tpu.memory_space<vmem>>
      %dma_start3A_484 = arith.constant 0 : i32
      %dma_start3A_485 = tpu.memref_slice %arg5[%dma_start3A_477, %dma_start3A_484] : memref<2x512xi32, #tpu.memory_space<vmem>> -> memref<1x128xi32, #tpu.memory_space<vmem>>
      %dma_start3A_486 = tpu.memref_squeeze %dma_start3A_485 : memref<1x128xi32, #tpu.memory_space<vmem>> -> memref<128xi32, #tpu.memory_space<vmem>>
      %dma_start3A_487 = arith.constant 0 : i32
      %dma_start3A_488 = arith.constant 0 : i32
      %dma_start3A_489 = tpu.memref_slice %arg3[%dma_start3A_487, %dma_start3A_488] : memref<2000000x64xf32, #tpu.memory_space<hbm>> -> memref<2000000x64xf32, #tpu.memory_space<hbm>>
      %dma_start3A_490 = tpu.memref_slice %arg8[%dma_start3A_479] : memref<2x!tpu.dma_semaphore, #tpu.memory_space<semaphore_mem>> -> memref<1x!tpu.dma_semaphore, #tpu.memory_space<semaphore_mem>>
      %dma_start3A_491 = tpu.memref_squeeze %dma_start3A_490 : memref<1x!tpu.dma_semaphore, #tpu.memory_space<semaphore_mem>> -> memref<!tpu.dma_semaphore, #tpu.memory_space<semaphore_mem>>
      tpu.enqueue_indirect_dma source(%dma_start3A_489 : memref<2000000x64xf32, #tpu.memory_space<hbm>>) target(%dma_start3A_483 : memref<128x64xf32, #tpu.memory_space<vmem>>) offsets(%dma_start3A_486 : memref<128xi32, #tpu.memory_space<vmem>>) semaphore(%dma_start3A_491 : memref<!tpu.dma_semaphore, #tpu.memory_space<semaphore_mem>>)
      %dma_start3A_492 = arith.constant 0 : i32
      %dma_start3A_493 = arith.constant 0 : i32
      %dma_start3A_494 = arith.constant 0 : i32
      %dma_start3A_495 = arith.constant 128 : i32
      %dma_start3A_496 = arith.constant 0 : i32
      %dma_start3A_497 = tpu.memref_slice %arg6[%dma_start3A_493, %dma_start3A_495, %dma_start3A_496] : memref<2x512x64xf32, #tpu.memory_space<vmem>> -> memref<1x128x64xf32, #tpu.memory_space<vmem>>
      %dma_start3A_498 = tpu.memref_squeeze %dma_start3A_497 : memref<1x128x64xf32, #tpu.memory_space<vmem>> -> memref<128x64xf32, #tpu.memory_space<vmem>>
      %dma_start3A_499 = arith.constant 128 : i32
      %dma_start3A_500 = tpu.memref_slice %arg5[%dma_start3A_492, %dma_start3A_499] : memref<2x512xi32, #tpu.memory_space<vmem>> -> memref<1x128xi32, #tpu.memory_space<vmem>>
      %dma_start3A_501 = tpu.memref_squeeze %dma_start3A_500 : memref<1x128xi32, #tpu.memory_space<vmem>> -> memref<128xi32, #tpu.memory_space<vmem>>
      %dma_start3A_502 = arith.constant 0 : i32
      %dma_start3A_503 = arith.constant 0 : i32
      %dma_start3A_504 = tpu.memref_slice %arg3[%dma_start3A_502, %dma_start3A_503] : memref<2000000x64xf32, #tpu.memory_space<hbm>> -> memref<2000000x64xf32, #tpu.memory_space<hbm>>
      %dma_start3A_505 = tpu.memref_slice %arg8[%dma_start3A_494] : memref<2x!tpu.dma_semaphore, #tpu.memory_space<semaphore_mem>> -> memref<1x!tpu.dma_semaphore, #tpu.memory_space<semaphore_mem>>
      %dma_start3A_506 = tpu.memref_squeeze %dma_start3A_505 : memref<1x!tpu.dma_semaphore, #tpu.memory_space<semaphore_mem>> -> memref<!tpu.dma_semaphore, #tpu.memory_space<semaphore_mem>>
      tpu.enqueue_indirect_dma source(%dma_start3A_504 : memref<2000000x64xf32, #tpu.memory_space<hbm>>) target(%dma_start3A_498 : memref<128x64xf32, #tpu.memory_space<vmem>>) offsets(%dma_start3A_501 : memref<128xi32, #tpu.memory_space<vmem>>) semaphore(%dma_start3A_506 : memref<!tpu.dma_semaphore, #tpu.memory_space<semaphore_mem>>)
      %dma_start3A_507 = arith.constant 0 : i32
      %dma_start3A_508 = arith.constant 0 : i32
      %dma_start3A_509 = arith.constant 0 : i32
      %dma_start3A_510 = arith.constant 256 : i32
      %dma_start3A_511 = arith.constant 0 : i32
      %dma_start3A_512 = tpu.memref_slice %arg6[%dma_start3A_508, %dma_start3A_510, %dma_start3A_511] : memref<2x512x64xf32, #tpu.memory_space<vmem>> -> memref<1x128x64xf32, #tpu.memory_space<vmem>>
      %dma_start3A_513 = tpu.memref_squeeze %dma_start3A_512 : memref<1x128x64xf32, #tpu.memory_space<vmem>> -> memref<128x64xf32, #tpu.memory_space<vmem>>
      %dma_start3A_514 = arith.constant 256 : i32
      %dma_start3A_515 = tpu.memref_slice %arg5[%dma_start3A_507, %dma_start3A_514] : memref<2x512xi32, #tpu.memory_space<vmem>> -> memref<1x128xi32, #tpu.memory_space<vmem>>
      %dma_start3A_516 = tpu.memref_squeeze %dma_start3A_515 : memref<1x128xi32, #tpu.memory_space<vmem>> -> memref<128xi32, #tpu.memory_space<vmem>>
      %dma_start3A_517 = arith.constant 0 : i32
      %dma_start3A_518 = arith.constant 0 : i32
      %dma_start3A_519 = tpu.memref_slice %arg3[%dma_start3A_517, %dma_start3A_518] : memref<2000000x64xf32, #tpu.memory_space<hbm>> -> memref<2000000x64xf32, #tpu.memory_space<hbm>>
      %dma_start3A_520 = tpu.memref_slice %arg8[%dma_start3A_509] : memref<2x!tpu.dma_semaphore, #tpu.memory_space<semaphore_mem>> -> memref<1x!tpu.dma_semaphore, #tpu.memory_space<semaphore_mem>>
      %dma_start3A_521 = tpu.memref_squeeze %dma_start3A_520 : memref<1x!tpu.dma_semaphore, #tpu.memory_space<semaphore_mem>> -> memref<!tpu.dma_semaphore, #tpu.memory_space<semaphore_mem>>
      tpu.enqueue_indirect_dma source(%dma_start3A_519 : memref<2000000x64xf32, #tpu.memory_space<hbm>>) target(%dma_start3A_513 : memref<128x64xf32, #tpu.memory_space<vmem>>) offsets(%dma_start3A_516 : memref<128xi32, #tpu.memory_space<vmem>>) semaphore(%dma_start3A_521 : memref<!tpu.dma_semaphore, #tpu.memory_space<semaphore_mem>>)
      %dma_start3A_522 = arith.constant 0 : i32
      %dma_start3A_523 = arith.constant 0 : i32
      %dma_start3A_524 = arith.constant 0 : i32
      %dma_start3A_525 = arith.constant 384 : i32
      %dma_start3A_526 = arith.constant 0 : i32
      %dma_start3A_527 = tpu.memref_slice %arg6[%dma_start3A_523, %dma_start3A_525, %dma_start3A_526] : memref<2x512x64xf32, #tpu.memory_space<vmem>> -> memref<1x128x64xf32, #tpu.memory_space<vmem>>
      %dma_start3A_528 = tpu.memref_squeeze %dma_start3A_527 : memref<1x128x64xf32, #tpu.memory_space<vmem>> -> memref<128x64xf32, #tpu.memory_space<vmem>>
      %dma_start3A_529 = arith.constant 384 : i32
      %dma_start3A_530 = tpu.memref_slice %arg5[%dma_start3A_522, %dma_start3A_529] : memref<2x512xi32, #tpu.memory_space<vmem>> -> memref<1x128xi32, #tpu.memory_space<vmem>>
      %dma_start3A_531 = tpu.memref_squeeze %dma_start3A_530 : memref<1x128xi32, #tpu.memory_space<vmem>> -> memref<128xi32, #tpu.memory_space<vmem>>
      %dma_start3A_532 = arith.constant 0 : i32
      %dma_start3A_533 = arith.constant 0 : i32
      %dma_start3A_534 = tpu.memref_slice %arg3[%dma_start3A_532, %dma_start3A_533] : memref<2000000x64xf32, #tpu.memory_space<hbm>> -> memref<2000000x64xf32, #tpu.memory_space<hbm>>
      %dma_start3A_535 = tpu.memref_slice %arg8[%dma_start3A_524] : memref<2x!tpu.dma_semaphore, #tpu.memory_space<semaphore_mem>> -> memref<1x!tpu.dma_semaphore, #tpu.memory_space<semaphore_mem>>
      %dma_start3A_536 = tpu.memref_squeeze %dma_start3A_535 : memref<1x!tpu.dma_semaphore, #tpu.memory_space<semaphore_mem>> -> memref<!tpu.dma_semaphore, #tpu.memory_space<semaphore_mem>>
      tpu.enqueue_indirect_dma source(%dma_start3A_534 : memref<2000000x64xf32, #tpu.memory_space<hbm>>) target(%dma_start3A_528 : memref<128x64xf32, #tpu.memory_space<vmem>>) offsets(%dma_start3A_531 : memref<128xi32, #tpu.memory_space<vmem>>) semaphore(%dma_start3A_536 : memref<!tpu.dma_semaphore, #tpu.memory_space<semaphore_mem>>)
      %dma_wait3A_537 = arith.constant 0 : i32
      %dma_wait3A_538 = arith.constant 0 : i32
      %dma_wait3A_539 = arith.constant 0 : i32
      %dma_wait3A_540 = arith.constant 0 : i32
      %dma_wait3A_541 = tpu.memref_slice %arg6[%dma_wait3A_537, %dma_wait3A_539, %dma_wait3A_540] : memref<2x512x64xf32, #tpu.memory_space<vmem>> -> memref<1x512x64xf32, #tpu.memory_space<vmem>>
      %dma_wait3A_542 = tpu.memref_squeeze %dma_wait3A_541 : memref<1x512x64xf32, #tpu.memory_space<vmem>> -> memref<512x64xf32, #tpu.memory_space<vmem>>
      %dma_wait3A_543 = arith.constant 0 : i32
      %dma_wait3A_544 = arith.constant 0 : i32
      %dma_wait3A_545 = tpu.memref_slice %arg3[%dma_wait3A_543, %dma_wait3A_544] : memref<2000000x64xf32, #tpu.memory_space<hbm>> -> memref<512x64xf32, #tpu.memory_space<hbm>>
      %dma_wait3A_546 = tpu.memref_slice %arg8[%dma_wait3A_538] : memref<2x!tpu.dma_semaphore, #tpu.memory_space<semaphore_mem>> -> memref<1x!tpu.dma_semaphore, #tpu.memory_space<semaphore_mem>>
      %dma_wait3A_547 = tpu.memref_squeeze %dma_wait3A_546 : memref<1x!tpu.dma_semaphore, #tpu.memory_space<semaphore_mem>> -> memref<!tpu.dma_semaphore, #tpu.memory_space<semaphore_mem>>
      %dma_wait3A_548 = arith.constant 0 : i32
      %dma_wait3A_549 = arith.constant 0 : i32
      %dma_wait3A_550 = tpu.memref_slice %arg6[%dma_wait3A_537, %dma_wait3A_548, %dma_wait3A_549] : memref<2x512x64xf32, #tpu.memory_space<vmem>> -> memref<1x512x64xf32, #tpu.memory_space<vmem>>
      %dma_wait3A_551 = tpu.memref_squeeze %dma_wait3A_550 : memref<1x512x64xf32, #tpu.memory_space<vmem>> -> memref<512x64xf32, #tpu.memory_space<vmem>>
      %dma_wait3A_552 = arith.constant 0 : i32
      %dma_wait3A_553 = arith.constant 0 : i32
      %dma_wait3A_554 = tpu.memref_slice %arg3[%dma_wait3A_552, %dma_wait3A_553] : memref<2000000x64xf32, #tpu.memory_space<hbm>> -> memref<512x64xf32, #tpu.memory_space<hbm>>
      tpu.wait_dma2 semaphore(%dma_wait3A_547 : memref<!tpu.dma_semaphore, #tpu.memory_space<semaphore_mem>>) src(%dma_wait3A_554 : memref<512x64xf32, #tpu.memory_space<hbm>>) dst(%dma_wait3A_551 : memref<512x64xf32, #tpu.memory_space<vmem>>)
      %lt3A = arith.constant 24 : i32
      %lt3A_555 = arith.cmpi slt, %scan3A_73, %lt3A : i32
      %convert_element_type3A_556 = arith.extui %lt3A_555 : i1 to i32
      %cond3A_557 = arith.constant 0 : i32
      %cond3A_558 = arith.cmpi ne, %convert_element_type3A_556, %cond3A_557 : i32
      scf.if %cond3A_558 {
        %add3A_1090 = arith.constant 2 : i32
        %add3A_1091 = arith.addi %add3A_77, %add3A_1090 : i32
        %mul3A_1092 = arith.constant 512 : i32
        %mul3A_1093 = arith.muli %add3A_1091, %mul3A_1092 : i32
        %add3A_1094 = arith.addi %mul3A_2, %mul3A_1093 : i32
        %multiple_of3A_1095 = tpu.assume_multiple %add3A_1094, 512 : i32
        %dma_start3A_1096 = arith.constant 0 : i32
        %dma_start3A_1097 = arith.constant 0 : i32
        %dma_start3A_1098 = arith.constant 0 : i32
        %dma_start3A_1099 = tpu.memref_slice %arg5[%dma_start3A_1096, %dma_start3A_1098] : memref<2x512xi32, #tpu.memory_space<vmem>> -> memref<1x512xi32, #tpu.memory_space<vmem>>
        %dma_start3A_1100 = tpu.memref_squeeze %dma_start3A_1099 : memref<1x512xi32, #tpu.memory_space<vmem>> -> memref<512xi32, #tpu.memory_space<vmem>>
        %dma_start3A_1101 = tpu.memref_slice %arg2[%multiple_of3A_1095] : memref<819200xi32, #tpu.memory_space<hbm>> -> memref<512xi32, #tpu.memory_space<hbm>>
        %dma_start3A_1102 = tpu.memref_slice %arg7[%dma_start3A_1097] : memref<2x!tpu.dma_semaphore, #tpu.memory_space<semaphore_mem>> -> memref<1x!tpu.dma_semaphore, #tpu.memory_space<semaphore_mem>>
        %dma_start3A_1103 = tpu.memref_squeeze %dma_start3A_1102 : memref<1x!tpu.dma_semaphore, #tpu.memory_space<semaphore_mem>> -> memref<!tpu.dma_semaphore, #tpu.memory_space<semaphore_mem>>
        %dma_start3A_1104 = arith.constant 0 : i32
        %dma_start3A_1105 = tpu.memref_slice %arg5[%dma_start3A_1096, %dma_start3A_1104] : memref<2x512xi32, #tpu.memory_space<vmem>> -> memref<1x512xi32, #tpu.memory_space<vmem>>
        %dma_start3A_1106 = tpu.memref_squeeze %dma_start3A_1105 : memref<1x512xi32, #tpu.memory_space<vmem>> -> memref<512xi32, #tpu.memory_space<vmem>>
        %dma_start3A_1107 = tpu.memref_slice %arg2[%multiple_of3A_1095] : memref<819200xi32, #tpu.memory_space<hbm>> -> memref<512xi32, #tpu.memory_space<hbm>>
        tpu.enqueue_dma source(%dma_start3A_1107 : memref<512xi32, #tpu.memory_space<hbm>>) target(%dma_start3A_1106 : memref<512xi32, #tpu.memory_space<vmem>>) target_semaphore(%dma_start3A_1103 : memref<!tpu.dma_semaphore, #tpu.memory_space<semaphore_mem>>)
      } else {
      }
      %mul3A_559 = arith.constant 512 : i32
      %mul3A_560 = arith.muli %add3A_77, %mul3A_559 : i32
      %add3A_561 = arith.addi %mul3A_2, %mul3A_560 : i32
      %multiple_of3A_562 = tpu.assume_multiple %add3A_561, 512 : i32
      %dma_start3A_563 = arith.constant 0 : i32
      %dma_start3A_564 = arith.constant 0 : i32
      %dma_start3A_565 = arith.constant 0 : i32
      %dma_start3A_566 = arith.constant 0 : i32
      %dma_start3A_567 = tpu.memref_slice %arg6[%dma_start3A_563, %dma_start3A_565, %dma_start3A_566] : memref<2x512x64xf32, #tpu.memory_space<vmem>> -> memref<1x512x64xf32, #tpu.memory_space<vmem>>
      %dma_start3A_568 = tpu.memref_squeeze %dma_start3A_567 : memref<1x512x64xf32, #tpu.memory_space<vmem>> -> memref<512x64xf32, #tpu.memory_space<vmem>>
      %dma_start3A_569 = arith.constant 0 : i32
      %dma_start3A_570 = tpu.memref_slice %arg4[%multiple_of3A_562, %dma_start3A_569] : memref<819200x128xf32, #tpu.memory_space<hbm>> -> memref<512x64xf32, #tpu.memory_space<hbm>>
      %dma_start3A_571 = tpu.memref_slice %arg9[%dma_start3A_564] : memref<2x!tpu.dma_semaphore, #tpu.memory_space<semaphore_mem>> -> memref<1x!tpu.dma_semaphore, #tpu.memory_space<semaphore_mem>>
      %dma_start3A_572 = tpu.memref_squeeze %dma_start3A_571 : memref<1x!tpu.dma_semaphore, #tpu.memory_space<semaphore_mem>> -> memref<!tpu.dma_semaphore, #tpu.memory_space<semaphore_mem>>
      %dma_start3A_573 = arith.constant 0 : i32
      %dma_start3A_574 = tpu.memref_slice %arg4[%multiple_of3A_562, %dma_start3A_573] : memref<819200x128xf32, #tpu.memory_space<hbm>> -> memref<512x64xf32, #tpu.memory_space<hbm>>
      %dma_start3A_575 = arith.constant 0 : i32
      %dma_start3A_576 = arith.constant 0 : i32
      %dma_start3A_577 = tpu.memref_slice %arg6[%dma_start3A_563, %dma_start3A_575, %dma_start3A_576] : memref<2x512x64xf32, #tpu.memory_space<vmem>> -> memref<1x512x64xf32, #tpu.memory_space<vmem>>
      %dma_start3A_578 = tpu.memref_squeeze %dma_start3A_577 : memref<1x512x64xf32, #tpu.memory_space<vmem>> -> memref<512x64xf32, #tpu.memory_space<vmem>>
      tpu.enqueue_dma source(%dma_start3A_578 : memref<512x64xf32, #tpu.memory_space<vmem>>) target(%dma_start3A_574 : memref<512x64xf32, #tpu.memory_space<hbm>>) target_semaphore(%dma_start3A_572 : memref<!tpu.dma_semaphore, #tpu.memory_space<semaphore_mem>>)
      %mul3A_579 = arith.constant 2 : i32
      %mul3A_580 = arith.muli %scan3A_73, %mul3A_579 : i32
      %add3A_581 = arith.constant 1 : i32
      %add3A_582 = arith.addi %mul3A_580, %add3A_581 : i32
      %gt3A_583 = arith.constant 0 : i32
      %gt3A_584 = arith.cmpi sgt, %scan3A_73, %gt3A_583 : i32
      %convert_element_type3A_585 = arith.extui %gt3A_584 : i1 to i32
      %cond3A_586 = arith.constant 0 : i32
      %cond3A_587 = arith.cmpi ne, %convert_element_type3A_585, %cond3A_586 : i32
      scf.if %cond3A_587 {
        %add3A_1090 = arith.constant 0 : i32
        %add3A_1091 = arith.addi %mul3A_2, %add3A_1090 : i32
        %multiple_of3A_1092 = tpu.assume_multiple %add3A_1091, 512 : i32
        %dma_wait3A_1093 = arith.constant 1 : i32
        %dma_wait3A_1094 = arith.constant 1 : i32
        %dma_wait3A_1095 = arith.constant 0 : i32
        %dma_wait3A_1096 = arith.constant 0 : i32
        %dma_wait3A_1097 = tpu.memref_slice %arg6[%dma_wait3A_1093, %dma_wait3A_1095, %dma_wait3A_1096] : memref<2x512x64xf32, #tpu.memory_space<vmem>> -> memref<1x512x64xf32, #tpu.memory_space<vmem>>
        %dma_wait3A_1098 = tpu.memref_squeeze %dma_wait3A_1097 : memref<1x512x64xf32, #tpu.memory_space<vmem>> -> memref<512x64xf32, #tpu.memory_space<vmem>>
        %dma_wait3A_1099 = arith.constant 0 : i32
        %dma_wait3A_1100 = tpu.memref_slice %arg4[%multiple_of3A_1092, %dma_wait3A_1099] : memref<819200x128xf32, #tpu.memory_space<hbm>> -> memref<512x64xf32, #tpu.memory_space<hbm>>
        %dma_wait3A_1101 = tpu.memref_slice %arg9[%dma_wait3A_1094] : memref<2x!tpu.dma_semaphore, #tpu.memory_space<semaphore_mem>> -> memref<1x!tpu.dma_semaphore, #tpu.memory_space<semaphore_mem>>
        %dma_wait3A_1102 = tpu.memref_squeeze %dma_wait3A_1101 : memref<1x!tpu.dma_semaphore, #tpu.memory_space<semaphore_mem>> -> memref<!tpu.dma_semaphore, #tpu.memory_space<semaphore_mem>>
        %dma_wait3A_1103 = arith.constant 0 : i32
        %dma_wait3A_1104 = tpu.memref_slice %arg4[%multiple_of3A_1092, %dma_wait3A_1103] : memref<819200x128xf32, #tpu.memory_space<hbm>> -> memref<512x64xf32, #tpu.memory_space<hbm>>
        %dma_wait3A_1105 = arith.constant 0 : i32
        %dma_wait3A_1106 = arith.constant 0 : i32
        %dma_wait3A_1107 = tpu.memref_slice %arg6[%dma_wait3A_1093, %dma_wait3A_1105, %dma_wait3A_1106] : memref<2x512x64xf32, #tpu.memory_space<vmem>> -> memref<1x512x64xf32, #tpu.memory_space<vmem>>
        %dma_wait3A_1108 = tpu.memref_squeeze %dma_wait3A_1107 : memref<1x512x64xf32, #tpu.memory_space<vmem>> -> memref<512x64xf32, #tpu.memory_space<vmem>>
        tpu.wait_dma2 semaphore(%dma_wait3A_1102 : memref<!tpu.dma_semaphore, #tpu.memory_space<semaphore_mem>>) src(%dma_wait3A_1108 : memref<512x64xf32, #tpu.memory_space<vmem>>) dst(%dma_wait3A_1104 : memref<512x64xf32, #tpu.memory_space<hbm>>)
      } else {
      }
      %add3A_588 = arith.constant 0 : i32
      %add3A_589 = arith.addi %mul3A_2, %add3A_588 : i32
      %multiple_of3A_590 = tpu.assume_multiple %add3A_589, 512 : i32
      %dma_wait3A_591 = arith.constant 1 : i32
      %dma_wait3A_592 = arith.constant 1 : i32
      %dma_wait3A_593 = arith.constant 0 : i32
      %dma_wait3A_594 = tpu.memref_slice %arg5[%dma_wait3A_591, %dma_wait3A_593] : memref<2x512xi32, #tpu.memory_space<vmem>> -> memref<1x512xi32, #tpu.memory_space<vmem>>
      %dma_wait3A_595 = tpu.memref_squeeze %dma_wait3A_594 : memref<1x512xi32, #tpu.memory_space<vmem>> -> memref<512xi32, #tpu.memory_space<vmem>>
      %dma_wait3A_596 = tpu.memref_slice %arg2[%multiple_of3A_590] : memref<819200xi32, #tpu.memory_space<hbm>> -> memref<512xi32, #tpu.memory_space<hbm>>
      %dma_wait3A_597 = tpu.memref_slice %arg7[%dma_wait3A_592] : memref<2x!tpu.dma_semaphore, #tpu.memory_space<semaphore_mem>> -> memref<1x!tpu.dma_semaphore, #tpu.memory_space<semaphore_mem>>
      %dma_wait3A_598 = tpu.memref_squeeze %dma_wait3A_597 : memref<1x!tpu.dma_semaphore, #tpu.memory_space<semaphore_mem>> -> memref<!tpu.dma_semaphore, #tpu.memory_space<semaphore_mem>>
      %dma_wait3A_599 = arith.constant 0 : i32
      %dma_wait3A_600 = tpu.memref_slice %arg5[%dma_wait3A_591, %dma_wait3A_599] : memref<2x512xi32, #tpu.memory_space<vmem>> -> memref<1x512xi32, #tpu.memory_space<vmem>>
      %dma_wait3A_601 = tpu.memref_squeeze %dma_wait3A_600 : memref<1x512xi32, #tpu.memory_space<vmem>> -> memref<512xi32, #tpu.memory_space<vmem>>
      %dma_wait3A_602 = tpu.memref_slice %arg2[%multiple_of3A_590] : memref<819200xi32, #tpu.memory_space<hbm>> -> memref<512xi32, #tpu.memory_space<hbm>>
      tpu.wait_dma2 semaphore(%dma_wait3A_598 : memref<!tpu.dma_semaphore, #tpu.memory_space<semaphore_mem>>) src(%dma_wait3A_602 : memref<512xi32, #tpu.memory_space<hbm>>) dst(%dma_wait3A_601 : memref<512xi32, #tpu.memory_space<vmem>>)
      %get3A_603 = arith.constant 1 : i32
      %get3A_604 = arith.index_cast %get3A_603 : i32 to index
      %get3A_605 = arith.constant 0 : index
      %get3A_606 = tpu.vector_load %arg5[%get3A_604, %get3A_605] {strides = array<i32>} : memref<2x512xi32, #tpu.memory_space<vmem>>, vector<1x16xi32>,
      %get3A_607 = vector.shape_cast %get3A_606 : vector<1x16xi32> to vector<16xi32>
      %add3A_608 = arith.addi %get3A_607, %get3A_607 : vector<16xi32>
      %swap3A_609 = arith.constant 1 : i32
      %swap3A_610 = arith.index_cast %swap3A_609 : i32 to index
      %swap3A_611 = arith.constant 0 : index
      %swap3A_612 = tpu.vector_load %arg5[%swap3A_610, %swap3A_611] {strides = array<i32>} : memref<2x512xi32, #tpu.memory_space<vmem>>, vector<1x16xi32>,
      %swap3A_613 = vector.shape_cast %swap3A_612 : vector<1x16xi32> to vector<16xi32>
      %swap3A_614 = vector.shape_cast %add3A_608 : vector<16xi32> to vector<1x16xi32>
      tpu.vector_store %arg5[%swap3A_610, %swap3A_611], %swap3A_614 {strides = array<i32>} : memref<2x512xi32, #tpu.memory_space<vmem>>, vector<1x16xi32>,
      %get3A_615 = arith.constant 1 : i32
      %get3A_616 = arith.index_cast %get3A_615 : i32 to index
      %get3A_617 = arith.constant 16 : index
      %get3A_618 = tpu.vector_load %arg5[%get3A_616, %get3A_617] {strides = array<i32>} : memref<2x512xi32, #tpu.memory_space<vmem>>, vector<1x16xi32>,
      %get3A_619 = vector.shape_cast %get3A_618 : vector<1x16xi32> to vector<16xi32>
      %add3A_620 = arith.addi %get3A_619, %get3A_619 : vector<16xi32>
      %swap3A_621 = arith.constant 1 : i32
      %swap3A_622 = arith.index_cast %swap3A_621 : i32 to index
      %swap3A_623 = arith.constant 16 : index
      %swap3A_624 = tpu.vector_load %arg5[%swap3A_622, %swap3A_623] {strides = array<i32>} : memref<2x512xi32, #tpu.memory_space<vmem>>, vector<1x16xi32>,
      %swap3A_625 = vector.shape_cast %swap3A_624 : vector<1x16xi32> to vector<16xi32>
      %swap3A_626 = vector.shape_cast %add3A_620 : vector<16xi32> to vector<1x16xi32>
      tpu.vector_store %arg5[%swap3A_622, %swap3A_623], %swap3A_626 {strides = array<i32>} : memref<2x512xi32, #tpu.memory_space<vmem>>, vector<1x16xi32>,
      %get3A_627 = arith.constant 1 : i32
      %get3A_628 = arith.index_cast %get3A_627 : i32 to index
      %get3A_629 = arith.constant 32 : index
      %get3A_630 = tpu.vector_load %arg5[%get3A_628, %get3A_629] {strides = array<i32>} : memref<2x512xi32, #tpu.memory_space<vmem>>, vector<1x16xi32>,
      %get3A_631 = vector.shape_cast %get3A_630 : vector<1x16xi32> to vector<16xi32>
      %add3A_632 = arith.addi %get3A_631, %get3A_631 : vector<16xi32>
      %swap3A_633 = arith.constant 1 : i32
      %swap3A_634 = arith.index_cast %swap3A_633 : i32 to index
      %swap3A_635 = arith.constant 32 : index
      %swap3A_636 = tpu.vector_load %arg5[%swap3A_634, %swap3A_635] {strides = array<i32>} : memref<2x512xi32, #tpu.memory_space<vmem>>, vector<1x16xi32>,
      %swap3A_637 = vector.shape_cast %swap3A_636 : vector<1x16xi32> to vector<16xi32>
      %swap3A_638 = vector.shape_cast %add3A_632 : vector<16xi32> to vector<1x16xi32>
      tpu.vector_store %arg5[%swap3A_634, %swap3A_635], %swap3A_638 {strides = array<i32>} : memref<2x512xi32, #tpu.memory_space<vmem>>, vector<1x16xi32>,
      %get3A_639 = arith.constant 1 : i32
      %get3A_640 = arith.index_cast %get3A_639 : i32 to index
      %get3A_641 = arith.constant 48 : index
      %get3A_642 = tpu.vector_load %arg5[%get3A_640, %get3A_641] {strides = array<i32>} : memref<2x512xi32, #tpu.memory_space<vmem>>, vector<1x16xi32>,
      %get3A_643 = vector.shape_cast %get3A_642 : vector<1x16xi32> to vector<16xi32>
      %add3A_644 = arith.addi %get3A_643, %get3A_643 : vector<16xi32>
      %swap3A_645 = arith.constant 1 : i32
      %swap3A_646 = arith.index_cast %swap3A_645 : i32 to index
      %swap3A_647 = arith.constant 48 : index
      %swap3A_648 = tpu.vector_load %arg5[%swap3A_646, %swap3A_647] {strides = array<i32>} : memref<2x512xi32, #tpu.memory_space<vmem>>, vector<1x16xi32>,
      %swap3A_649 = vector.shape_cast %swap3A_648 : vector<1x16xi32> to vector<16xi32>
      %swap3A_650 = vector.shape_cast %add3A_644 : vector<16xi32> to vector<1x16xi32>
      tpu.vector_store %arg5[%swap3A_646, %swap3A_647], %swap3A_650 {strides = array<i32>} : memref<2x512xi32, #tpu.memory_space<vmem>>, vector<1x16xi32>,
      %get3A_651 = arith.constant 1 : i32
      %get3A_652 = arith.index_cast %get3A_651 : i32 to index
      %get3A_653 = arith.constant 64 : index
      %get3A_654 = tpu.vector_load %arg5[%get3A_652, %get3A_653] {strides = array<i32>} : memref<2x512xi32, #tpu.memory_space<vmem>>, vector<1x16xi32>,
      %get3A_655 = vector.shape_cast %get3A_654 : vector<1x16xi32> to vector<16xi32>
      %add3A_656 = arith.addi %get3A_655, %get3A_655 : vector<16xi32>
      %swap3A_657 = arith.constant 1 : i32
      %swap3A_658 = arith.index_cast %swap3A_657 : i32 to index
      %swap3A_659 = arith.constant 64 : index
      %swap3A_660 = tpu.vector_load %arg5[%swap3A_658, %swap3A_659] {strides = array<i32>} : memref<2x512xi32, #tpu.memory_space<vmem>>, vector<1x16xi32>,
      %swap3A_661 = vector.shape_cast %swap3A_660 : vector<1x16xi32> to vector<16xi32>
      %swap3A_662 = vector.shape_cast %add3A_656 : vector<16xi32> to vector<1x16xi32>
      tpu.vector_store %arg5[%swap3A_658, %swap3A_659], %swap3A_662 {strides = array<i32>} : memref<2x512xi32, #tpu.memory_space<vmem>>, vector<1x16xi32>,
      %get3A_663 = arith.constant 1 : i32
      %get3A_664 = arith.index_cast %get3A_663 : i32 to index
      %get3A_665 = arith.constant 80 : index
      %get3A_666 = tpu.vector_load %arg5[%get3A_664, %get3A_665] {strides = array<i32>} : memref<2x512xi32, #tpu.memory_space<vmem>>, vector<1x16xi32>,
      %get3A_667 = vector.shape_cast %get3A_666 : vector<1x16xi32> to vector<16xi32>
      %add3A_668 = arith.addi %get3A_667, %get3A_667 : vector<16xi32>
      %swap3A_669 = arith.constant 1 : i32
      %swap3A_670 = arith.index_cast %swap3A_669 : i32 to index
      %swap3A_671 = arith.constant 80 : index
      %swap3A_672 = tpu.vector_load %arg5[%swap3A_670, %swap3A_671] {strides = array<i32>} : memref<2x512xi32, #tpu.memory_space<vmem>>, vector<1x16xi32>,
      %swap3A_673 = vector.shape_cast %swap3A_672 : vector<1x16xi32> to vector<16xi32>
      %swap3A_674 = vector.shape_cast %add3A_668 : vector<16xi32> to vector<1x16xi32>
      tpu.vector_store %arg5[%swap3A_670, %swap3A_671], %swap3A_674 {strides = array<i32>} : memref<2x512xi32, #tpu.memory_space<vmem>>, vector<1x16xi32>,
      %get3A_675 = arith.constant 1 : i32
      %get3A_676 = arith.index_cast %get3A_675 : i32 to index
      %get3A_677 = arith.constant 96 : index
      %get3A_678 = tpu.vector_load %arg5[%get3A_676, %get3A_677] {strides = array<i32>} : memref<2x512xi32, #tpu.memory_space<vmem>>, vector<1x16xi32>,
      %get3A_679 = vector.shape_cast %get3A_678 : vector<1x16xi32> to vector<16xi32>
      %add3A_680 = arith.addi %get3A_679, %get3A_679 : vector<16xi32>
      %swap3A_681 = arith.constant 1 : i32
      %swap3A_682 = arith.index_cast %swap3A_681 : i32 to index
      %swap3A_683 = arith.constant 96 : index
      %swap3A_684 = tpu.vector_load %arg5[%swap3A_682, %swap3A_683] {strides = array<i32>} : memref<2x512xi32, #tpu.memory_space<vmem>>, vector<1x16xi32>,
      %swap3A_685 = vector.shape_cast %swap3A_684 : vector<1x16xi32> to vector<16xi32>
      %swap3A_686 = vector.shape_cast %add3A_680 : vector<16xi32> to vector<1x16xi32>
      tpu.vector_store %arg5[%swap3A_682, %swap3A_683], %swap3A_686 {strides = array<i32>} : memref<2x512xi32, #tpu.memory_space<vmem>>, vector<1x16xi32>,
      %get3A_687 = arith.constant 1 : i32
      %get3A_688 = arith.index_cast %get3A_687 : i32 to index
      %get3A_689 = arith.constant 112 : index
      %get3A_690 = tpu.vector_load %arg5[%get3A_688, %get3A_689] {strides = array<i32>} : memref<2x512xi32, #tpu.memory_space<vmem>>, vector<1x16xi32>,
      %get3A_691 = vector.shape_cast %get3A_690 : vector<1x16xi32> to vector<16xi32>
      %add3A_692 = arith.addi %get3A_691, %get3A_691 : vector<16xi32>
      %swap3A_693 = arith.constant 1 : i32
      %swap3A_694 = arith.index_cast %swap3A_693 : i32 to index
      %swap3A_695 = arith.constant 112 : index
      %swap3A_696 = tpu.vector_load %arg5[%swap3A_694, %swap3A_695] {strides = array<i32>} : memref<2x512xi32, #tpu.memory_space<vmem>>, vector<1x16xi32>,
      %swap3A_697 = vector.shape_cast %swap3A_696 : vector<1x16xi32> to vector<16xi32>
      %swap3A_698 = vector.shape_cast %add3A_692 : vector<16xi32> to vector<1x16xi32>
      tpu.vector_store %arg5[%swap3A_694, %swap3A_695], %swap3A_698 {strides = array<i32>} : memref<2x512xi32, #tpu.memory_space<vmem>>, vector<1x16xi32>,
      %get3A_699 = arith.constant 1 : i32
      %get3A_700 = arith.index_cast %get3A_699 : i32 to index
      %get3A_701 = arith.constant 128 : index
      %get3A_702 = tpu.vector_load %arg5[%get3A_700, %get3A_701] {strides = array<i32>} : memref<2x512xi32, #tpu.memory_space<vmem>>, vector<1x16xi32>,
      %get3A_703 = vector.shape_cast %get3A_702 : vector<1x16xi32> to vector<16xi32>
      %add3A_704 = arith.addi %get3A_703, %get3A_703 : vector<16xi32>
      %swap3A_705 = arith.constant 1 : i32
      %swap3A_706 = arith.index_cast %swap3A_705 : i32 to index
      %swap3A_707 = arith.constant 128 : index
      %swap3A_708 = tpu.vector_load %arg5[%swap3A_706, %swap3A_707] {strides = array<i32>} : memref<2x512xi32, #tpu.memory_space<vmem>>, vector<1x16xi32>,
      %swap3A_709 = vector.shape_cast %swap3A_708 : vector<1x16xi32> to vector<16xi32>
      %swap3A_710 = vector.shape_cast %add3A_704 : vector<16xi32> to vector<1x16xi32>
      tpu.vector_store %arg5[%swap3A_706, %swap3A_707], %swap3A_710 {strides = array<i32>} : memref<2x512xi32, #tpu.memory_space<vmem>>, vector<1x16xi32>,
      %get3A_711 = arith.constant 1 : i32
      %get3A_712 = arith.index_cast %get3A_711 : i32 to index
      %get3A_713 = arith.constant 144 : index
      %get3A_714 = tpu.vector_load %arg5[%get3A_712, %get3A_713] {strides = array<i32>} : memref<2x512xi32, #tpu.memory_space<vmem>>, vector<1x16xi32>,
      %get3A_715 = vector.shape_cast %get3A_714 : vector<1x16xi32> to vector<16xi32>
      %add3A_716 = arith.addi %get3A_715, %get3A_715 : vector<16xi32>
      %swap3A_717 = arith.constant 1 : i32
      %swap3A_718 = arith.index_cast %swap3A_717 : i32 to index
      %swap3A_719 = arith.constant 144 : index
      %swap3A_720 = tpu.vector_load %arg5[%swap3A_718, %swap3A_719] {strides = array<i32>} : memref<2x512xi32, #tpu.memory_space<vmem>>, vector<1x16xi32>,
      %swap3A_721 = vector.shape_cast %swap3A_720 : vector<1x16xi32> to vector<16xi32>
      %swap3A_722 = vector.shape_cast %add3A_716 : vector<16xi32> to vector<1x16xi32>
      tpu.vector_store %arg5[%swap3A_718, %swap3A_719], %swap3A_722 {strides = array<i32>} : memref<2x512xi32, #tpu.memory_space<vmem>>, vector<1x16xi32>,
      %get3A_723 = arith.constant 1 : i32
      %get3A_724 = arith.index_cast %get3A_723 : i32 to index
      %get3A_725 = arith.constant 160 : index
      %get3A_726 = tpu.vector_load %arg5[%get3A_724, %get3A_725] {strides = array<i32>} : memref<2x512xi32, #tpu.memory_space<vmem>>, vector<1x16xi32>,
      %get3A_727 = vector.shape_cast %get3A_726 : vector<1x16xi32> to vector<16xi32>
      %add3A_728 = arith.addi %get3A_727, %get3A_727 : vector<16xi32>
      %swap3A_729 = arith.constant 1 : i32
      %swap3A_730 = arith.index_cast %swap3A_729 : i32 to index
      %swap3A_731 = arith.constant 160 : index
      %swap3A_732 = tpu.vector_load %arg5[%swap3A_730, %swap3A_731] {strides = array<i32>} : memref<2x512xi32, #tpu.memory_space<vmem>>, vector<1x16xi32>,
      %swap3A_733 = vector.shape_cast %swap3A_732 : vector<1x16xi32> to vector<16xi32>
      %swap3A_734 = vector.shape_cast %add3A_728 : vector<16xi32> to vector<1x16xi32>
      tpu.vector_store %arg5[%swap3A_730, %swap3A_731], %swap3A_734 {strides = array<i32>} : memref<2x512xi32, #tpu.memory_space<vmem>>, vector<1x16xi32>,
      %get3A_735 = arith.constant 1 : i32
      %get3A_736 = arith.index_cast %get3A_735 : i32 to index
      %get3A_737 = arith.constant 176 : index
      %get3A_738 = tpu.vector_load %arg5[%get3A_736, %get3A_737] {strides = array<i32>} : memref<2x512xi32, #tpu.memory_space<vmem>>, vector<1x16xi32>,
      %get3A_739 = vector.shape_cast %get3A_738 : vector<1x16xi32> to vector<16xi32>
      %add3A_740 = arith.addi %get3A_739, %get3A_739 : vector<16xi32>
      %swap3A_741 = arith.constant 1 : i32
      %swap3A_742 = arith.index_cast %swap3A_741 : i32 to index
      %swap3A_743 = arith.constant 176 : index
      %swap3A_744 = tpu.vector_load %arg5[%swap3A_742, %swap3A_743] {strides = array<i32>} : memref<2x512xi32, #tpu.memory_space<vmem>>, vector<1x16xi32>,
      %swap3A_745 = vector.shape_cast %swap3A_744 : vector<1x16xi32> to vector<16xi32>
      %swap3A_746 = vector.shape_cast %add3A_740 : vector<16xi32> to vector<1x16xi32>
      tpu.vector_store %arg5[%swap3A_742, %swap3A_743], %swap3A_746 {strides = array<i32>} : memref<2x512xi32, #tpu.memory_space<vmem>>, vector<1x16xi32>,
      %get3A_747 = arith.constant 1 : i32
      %get3A_748 = arith.index_cast %get3A_747 : i32 to index
      %get3A_749 = arith.constant 192 : index
      %get3A_750 = tpu.vector_load %arg5[%get3A_748, %get3A_749] {strides = array<i32>} : memref<2x512xi32, #tpu.memory_space<vmem>>, vector<1x16xi32>,
      %get3A_751 = vector.shape_cast %get3A_750 : vector<1x16xi32> to vector<16xi32>
      %add3A_752 = arith.addi %get3A_751, %get3A_751 : vector<16xi32>
      %swap3A_753 = arith.constant 1 : i32
      %swap3A_754 = arith.index_cast %swap3A_753 : i32 to index
      %swap3A_755 = arith.constant 192 : index
      %swap3A_756 = tpu.vector_load %arg5[%swap3A_754, %swap3A_755] {strides = array<i32>} : memref<2x512xi32, #tpu.memory_space<vmem>>, vector<1x16xi32>,
      %swap3A_757 = vector.shape_cast %swap3A_756 : vector<1x16xi32> to vector<16xi32>
      %swap3A_758 = vector.shape_cast %add3A_752 : vector<16xi32> to vector<1x16xi32>
      tpu.vector_store %arg5[%swap3A_754, %swap3A_755], %swap3A_758 {strides = array<i32>} : memref<2x512xi32, #tpu.memory_space<vmem>>, vector<1x16xi32>,
      %get3A_759 = arith.constant 1 : i32
      %get3A_760 = arith.index_cast %get3A_759 : i32 to index
      %get3A_761 = arith.constant 208 : index
      %get3A_762 = tpu.vector_load %arg5[%get3A_760, %get3A_761] {strides = array<i32>} : memref<2x512xi32, #tpu.memory_space<vmem>>, vector<1x16xi32>,
      %get3A_763 = vector.shape_cast %get3A_762 : vector<1x16xi32> to vector<16xi32>
      %add3A_764 = arith.addi %get3A_763, %get3A_763 : vector<16xi32>
      %swap3A_765 = arith.constant 1 : i32
      %swap3A_766 = arith.index_cast %swap3A_765 : i32 to index
      %swap3A_767 = arith.constant 208 : index
      %swap3A_768 = tpu.vector_load %arg5[%swap3A_766, %swap3A_767] {strides = array<i32>} : memref<2x512xi32, #tpu.memory_space<vmem>>, vector<1x16xi32>,
      %swap3A_769 = vector.shape_cast %swap3A_768 : vector<1x16xi32> to vector<16xi32>
      %swap3A_770 = vector.shape_cast %add3A_764 : vector<16xi32> to vector<1x16xi32>
      tpu.vector_store %arg5[%swap3A_766, %swap3A_767], %swap3A_770 {strides = array<i32>} : memref<2x512xi32, #tpu.memory_space<vmem>>, vector<1x16xi32>,
      %get3A_771 = arith.constant 1 : i32
      %get3A_772 = arith.index_cast %get3A_771 : i32 to index
      %get3A_773 = arith.constant 224 : index
      %get3A_774 = tpu.vector_load %arg5[%get3A_772, %get3A_773] {strides = array<i32>} : memref<2x512xi32, #tpu.memory_space<vmem>>, vector<1x16xi32>,
      %get3A_775 = vector.shape_cast %get3A_774 : vector<1x16xi32> to vector<16xi32>
      %add3A_776 = arith.addi %get3A_775, %get3A_775 : vector<16xi32>
      %swap3A_777 = arith.constant 1 : i32
      %swap3A_778 = arith.index_cast %swap3A_777 : i32 to index
      %swap3A_779 = arith.constant 224 : index
      %swap3A_780 = tpu.vector_load %arg5[%swap3A_778, %swap3A_779] {strides = array<i32>} : memref<2x512xi32, #tpu.memory_space<vmem>>, vector<1x16xi32>,
      %swap3A_781 = vector.shape_cast %swap3A_780 : vector<1x16xi32> to vector<16xi32>
      %swap3A_782 = vector.shape_cast %add3A_776 : vector<16xi32> to vector<1x16xi32>
      tpu.vector_store %arg5[%swap3A_778, %swap3A_779], %swap3A_782 {strides = array<i32>} : memref<2x512xi32, #tpu.memory_space<vmem>>, vector<1x16xi32>,
      %get3A_783 = arith.constant 1 : i32
      %get3A_784 = arith.index_cast %get3A_783 : i32 to index
      %get3A_785 = arith.constant 240 : index
      %get3A_786 = tpu.vector_load %arg5[%get3A_784, %get3A_785] {strides = array<i32>} : memref<2x512xi32, #tpu.memory_space<vmem>>, vector<1x16xi32>,
      %get3A_787 = vector.shape_cast %get3A_786 : vector<1x16xi32> to vector<16xi32>
      %add3A_788 = arith.addi %get3A_787, %get3A_787 : vector<16xi32>
      %swap3A_789 = arith.constant 1 : i32
      %swap3A_790 = arith.index_cast %swap3A_789 : i32 to index
      %swap3A_791 = arith.constant 240 : index
      %swap3A_792 = tpu.vector_load %arg5[%swap3A_790, %swap3A_791] {strides = array<i32>} : memref<2x512xi32, #tpu.memory_space<vmem>>, vector<1x16xi32>,
      %swap3A_793 = vector.shape_cast %swap3A_792 : vector<1x16xi32> to vector<16xi32>
      %swap3A_794 = vector.shape_cast %add3A_788 : vector<16xi32> to vector<1x16xi32>
      tpu.vector_store %arg5[%swap3A_790, %swap3A_791], %swap3A_794 {strides = array<i32>} : memref<2x512xi32, #tpu.memory_space<vmem>>, vector<1x16xi32>,
      %get3A_795 = arith.constant 1 : i32
      %get3A_796 = arith.index_cast %get3A_795 : i32 to index
      %get3A_797 = arith.constant 256 : index
      %get3A_798 = tpu.vector_load %arg5[%get3A_796, %get3A_797] {strides = array<i32>} : memref<2x512xi32, #tpu.memory_space<vmem>>, vector<1x16xi32>,
      %get3A_799 = vector.shape_cast %get3A_798 : vector<1x16xi32> to vector<16xi32>
      %add3A_800 = arith.addi %get3A_799, %get3A_799 : vector<16xi32>
      %swap3A_801 = arith.constant 1 : i32
      %swap3A_802 = arith.index_cast %swap3A_801 : i32 to index
      %swap3A_803 = arith.constant 256 : index
      %swap3A_804 = tpu.vector_load %arg5[%swap3A_802, %swap3A_803] {strides = array<i32>} : memref<2x512xi32, #tpu.memory_space<vmem>>, vector<1x16xi32>,
      %swap3A_805 = vector.shape_cast %swap3A_804 : vector<1x16xi32> to vector<16xi32>
      %swap3A_806 = vector.shape_cast %add3A_800 : vector<16xi32> to vector<1x16xi32>
      tpu.vector_store %arg5[%swap3A_802, %swap3A_803], %swap3A_806 {strides = array<i32>} : memref<2x512xi32, #tpu.memory_space<vmem>>, vector<1x16xi32>,
      %get3A_807 = arith.constant 1 : i32
      %get3A_808 = arith.index_cast %get3A_807 : i32 to index
      %get3A_809 = arith.constant 272 : index
      %get3A_810 = tpu.vector_load %arg5[%get3A_808, %get3A_809] {strides = array<i32>} : memref<2x512xi32, #tpu.memory_space<vmem>>, vector<1x16xi32>,
      %get3A_811 = vector.shape_cast %get3A_810 : vector<1x16xi32> to vector<16xi32>
      %add3A_812 = arith.addi %get3A_811, %get3A_811 : vector<16xi32>
      %swap3A_813 = arith.constant 1 : i32
      %swap3A_814 = arith.index_cast %swap3A_813 : i32 to index
      %swap3A_815 = arith.constant 272 : index
      %swap3A_816 = tpu.vector_load %arg5[%swap3A_814, %swap3A_815] {strides = array<i32>} : memref<2x512xi32, #tpu.memory_space<vmem>>, vector<1x16xi32>,
      %swap3A_817 = vector.shape_cast %swap3A_816 : vector<1x16xi32> to vector<16xi32>
      %swap3A_818 = vector.shape_cast %add3A_812 : vector<16xi32> to vector<1x16xi32>
      tpu.vector_store %arg5[%swap3A_814, %swap3A_815], %swap3A_818 {strides = array<i32>} : memref<2x512xi32, #tpu.memory_space<vmem>>, vector<1x16xi32>,
      %get3A_819 = arith.constant 1 : i32
      %get3A_820 = arith.index_cast %get3A_819 : i32 to index
      %get3A_821 = arith.constant 288 : index
      %get3A_822 = tpu.vector_load %arg5[%get3A_820, %get3A_821] {strides = array<i32>} : memref<2x512xi32, #tpu.memory_space<vmem>>, vector<1x16xi32>,
      %get3A_823 = vector.shape_cast %get3A_822 : vector<1x16xi32> to vector<16xi32>
      %add3A_824 = arith.addi %get3A_823, %get3A_823 : vector<16xi32>
      %swap3A_825 = arith.constant 1 : i32
      %swap3A_826 = arith.index_cast %swap3A_825 : i32 to index
      %swap3A_827 = arith.constant 288 : index
      %swap3A_828 = tpu.vector_load %arg5[%swap3A_826, %swap3A_827] {strides = array<i32>} : memref<2x512xi32, #tpu.memory_space<vmem>>, vector<1x16xi32>,
      %swap3A_829 = vector.shape_cast %swap3A_828 : vector<1x16xi32> to vector<16xi32>
      %swap3A_830 = vector.shape_cast %add3A_824 : vector<16xi32> to vector<1x16xi32>
      tpu.vector_store %arg5[%swap3A_826, %swap3A_827], %swap3A_830 {strides = array<i32>} : memref<2x512xi32, #tpu.memory_space<vmem>>, vector<1x16xi32>,
      %get3A_831 = arith.constant 1 : i32
      %get3A_832 = arith.index_cast %get3A_831 : i32 to index
      %get3A_833 = arith.constant 304 : index
      %get3A_834 = tpu.vector_load %arg5[%get3A_832, %get3A_833] {strides = array<i32>} : memref<2x512xi32, #tpu.memory_space<vmem>>, vector<1x16xi32>,
      %get3A_835 = vector.shape_cast %get3A_834 : vector<1x16xi32> to vector<16xi32>
      %add3A_836 = arith.addi %get3A_835, %get3A_835 : vector<16xi32>
      %swap3A_837 = arith.constant 1 : i32
      %swap3A_838 = arith.index_cast %swap3A_837 : i32 to index
      %swap3A_839 = arith.constant 304 : index
      %swap3A_840 = tpu.vector_load %arg5[%swap3A_838, %swap3A_839] {strides = array<i32>} : memref<2x512xi32, #tpu.memory_space<vmem>>, vector<1x16xi32>,
      %swap3A_841 = vector.shape_cast %swap3A_840 : vector<1x16xi32> to vector<16xi32>
      %swap3A_842 = vector.shape_cast %add3A_836 : vector<16xi32> to vector<1x16xi32>
      tpu.vector_store %arg5[%swap3A_838, %swap3A_839], %swap3A_842 {strides = array<i32>} : memref<2x512xi32, #tpu.memory_space<vmem>>, vector<1x16xi32>,
      %get3A_843 = arith.constant 1 : i32
      %get3A_844 = arith.index_cast %get3A_843 : i32 to index
      %get3A_845 = arith.constant 320 : index
      %get3A_846 = tpu.vector_load %arg5[%get3A_844, %get3A_845] {strides = array<i32>} : memref<2x512xi32, #tpu.memory_space<vmem>>, vector<1x16xi32>,
      %get3A_847 = vector.shape_cast %get3A_846 : vector<1x16xi32> to vector<16xi32>
      %add3A_848 = arith.addi %get3A_847, %get3A_847 : vector<16xi32>
      %swap3A_849 = arith.constant 1 : i32
      %swap3A_850 = arith.index_cast %swap3A_849 : i32 to index
      %swap3A_851 = arith.constant 320 : index
      %swap3A_852 = tpu.vector_load %arg5[%swap3A_850, %swap3A_851] {strides = array<i32>} : memref<2x512xi32, #tpu.memory_space<vmem>>, vector<1x16xi32>,
      %swap3A_853 = vector.shape_cast %swap3A_852 : vector<1x16xi32> to vector<16xi32>
      %swap3A_854 = vector.shape_cast %add3A_848 : vector<16xi32> to vector<1x16xi32>
      tpu.vector_store %arg5[%swap3A_850, %swap3A_851], %swap3A_854 {strides = array<i32>} : memref<2x512xi32, #tpu.memory_space<vmem>>, vector<1x16xi32>,
      %get3A_855 = arith.constant 1 : i32
      %get3A_856 = arith.index_cast %get3A_855 : i32 to index
      %get3A_857 = arith.constant 336 : index
      %get3A_858 = tpu.vector_load %arg5[%get3A_856, %get3A_857] {strides = array<i32>} : memref<2x512xi32, #tpu.memory_space<vmem>>, vector<1x16xi32>,
      %get3A_859 = vector.shape_cast %get3A_858 : vector<1x16xi32> to vector<16xi32>
      %add3A_860 = arith.addi %get3A_859, %get3A_859 : vector<16xi32>
      %swap3A_861 = arith.constant 1 : i32
      %swap3A_862 = arith.index_cast %swap3A_861 : i32 to index
      %swap3A_863 = arith.constant 336 : index
      %swap3A_864 = tpu.vector_load %arg5[%swap3A_862, %swap3A_863] {strides = array<i32>} : memref<2x512xi32, #tpu.memory_space<vmem>>, vector<1x16xi32>,
      %swap3A_865 = vector.shape_cast %swap3A_864 : vector<1x16xi32> to vector<16xi32>
      %swap3A_866 = vector.shape_cast %add3A_860 : vector<16xi32> to vector<1x16xi32>
      tpu.vector_store %arg5[%swap3A_862, %swap3A_863], %swap3A_866 {strides = array<i32>} : memref<2x512xi32, #tpu.memory_space<vmem>>, vector<1x16xi32>,
      %get3A_867 = arith.constant 1 : i32
      %get3A_868 = arith.index_cast %get3A_867 : i32 to index
      %get3A_869 = arith.constant 352 : index
      %get3A_870 = tpu.vector_load %arg5[%get3A_868, %get3A_869] {strides = array<i32>} : memref<2x512xi32, #tpu.memory_space<vmem>>, vector<1x16xi32>,
      %get3A_871 = vector.shape_cast %get3A_870 : vector<1x16xi32> to vector<16xi32>
      %add3A_872 = arith.addi %get3A_871, %get3A_871 : vector<16xi32>
      %swap3A_873 = arith.constant 1 : i32
      %swap3A_874 = arith.index_cast %swap3A_873 : i32 to index
      %swap3A_875 = arith.constant 352 : index
      %swap3A_876 = tpu.vector_load %arg5[%swap3A_874, %swap3A_875] {strides = array<i32>} : memref<2x512xi32, #tpu.memory_space<vmem>>, vector<1x16xi32>,
      %swap3A_877 = vector.shape_cast %swap3A_876 : vector<1x16xi32> to vector<16xi32>
      %swap3A_878 = vector.shape_cast %add3A_872 : vector<16xi32> to vector<1x16xi32>
      tpu.vector_store %arg5[%swap3A_874, %swap3A_875], %swap3A_878 {strides = array<i32>} : memref<2x512xi32, #tpu.memory_space<vmem>>, vector<1x16xi32>,
      %get3A_879 = arith.constant 1 : i32
      %get3A_880 = arith.index_cast %get3A_879 : i32 to index
      %get3A_881 = arith.constant 368 : index
      %get3A_882 = tpu.vector_load %arg5[%get3A_880, %get3A_881] {strides = array<i32>} : memref<2x512xi32, #tpu.memory_space<vmem>>, vector<1x16xi32>,
      %get3A_883 = vector.shape_cast %get3A_882 : vector<1x16xi32> to vector<16xi32>
      %add3A_884 = arith.addi %get3A_883, %get3A_883 : vector<16xi32>
      %swap3A_885 = arith.constant 1 : i32
      %swap3A_886 = arith.index_cast %swap3A_885 : i32 to index
      %swap3A_887 = arith.constant 368 : index
      %swap3A_888 = tpu.vector_load %arg5[%swap3A_886, %swap3A_887] {strides = array<i32>} : memref<2x512xi32, #tpu.memory_space<vmem>>, vector<1x16xi32>,
      %swap3A_889 = vector.shape_cast %swap3A_888 : vector<1x16xi32> to vector<16xi32>
      %swap3A_890 = vector.shape_cast %add3A_884 : vector<16xi32> to vector<1x16xi32>
      tpu.vector_store %arg5[%swap3A_886, %swap3A_887], %swap3A_890 {strides = array<i32>} : memref<2x512xi32, #tpu.memory_space<vmem>>, vector<1x16xi32>,
      %get3A_891 = arith.constant 1 : i32
      %get3A_892 = arith.index_cast %get3A_891 : i32 to index
      %get3A_893 = arith.constant 384 : index
      %get3A_894 = tpu.vector_load %arg5[%get3A_892, %get3A_893] {strides = array<i32>} : memref<2x512xi32, #tpu.memory_space<vmem>>, vector<1x16xi32>,
      %get3A_895 = vector.shape_cast %get3A_894 : vector<1x16xi32> to vector<16xi32>
      %add3A_896 = arith.addi %get3A_895, %get3A_895 : vector<16xi32>
      %swap3A_897 = arith.constant 1 : i32
      %swap3A_898 = arith.index_cast %swap3A_897 : i32 to index
      %swap3A_899 = arith.constant 384 : index
      %swap3A_900 = tpu.vector_load %arg5[%swap3A_898, %swap3A_899] {strides = array<i32>} : memref<2x512xi32, #tpu.memory_space<vmem>>, vector<1x16xi32>,
      %swap3A_901 = vector.shape_cast %swap3A_900 : vector<1x16xi32> to vector<16xi32>
      %swap3A_902 = vector.shape_cast %add3A_896 : vector<16xi32> to vector<1x16xi32>
      tpu.vector_store %arg5[%swap3A_898, %swap3A_899], %swap3A_902 {strides = array<i32>} : memref<2x512xi32, #tpu.memory_space<vmem>>, vector<1x16xi32>,
      %get3A_903 = arith.constant 1 : i32
      %get3A_904 = arith.index_cast %get3A_903 : i32 to index
      %get3A_905 = arith.constant 400 : index
      %get3A_906 = tpu.vector_load %arg5[%get3A_904, %get3A_905] {strides = array<i32>} : memref<2x512xi32, #tpu.memory_space<vmem>>, vector<1x16xi32>,
      %get3A_907 = vector.shape_cast %get3A_906 : vector<1x16xi32> to vector<16xi32>
      %add3A_908 = arith.addi %get3A_907, %get3A_907 : vector<16xi32>
      %swap3A_909 = arith.constant 1 : i32
      %swap3A_910 = arith.index_cast %swap3A_909 : i32 to index
      %swap3A_911 = arith.constant 400 : index
      %swap3A_912 = tpu.vector_load %arg5[%swap3A_910, %swap3A_911] {strides = array<i32>} : memref<2x512xi32, #tpu.memory_space<vmem>>, vector<1x16xi32>,
      %swap3A_913 = vector.shape_cast %swap3A_912 : vector<1x16xi32> to vector<16xi32>
      %swap3A_914 = vector.shape_cast %add3A_908 : vector<16xi32> to vector<1x16xi32>
      tpu.vector_store %arg5[%swap3A_910, %swap3A_911], %swap3A_914 {strides = array<i32>} : memref<2x512xi32, #tpu.memory_space<vmem>>, vector<1x16xi32>,
      %get3A_915 = arith.constant 1 : i32
      %get3A_916 = arith.index_cast %get3A_915 : i32 to index
      %get3A_917 = arith.constant 416 : index
      %get3A_918 = tpu.vector_load %arg5[%get3A_916, %get3A_917] {strides = array<i32>} : memref<2x512xi32, #tpu.memory_space<vmem>>, vector<1x16xi32>,
      %get3A_919 = vector.shape_cast %get3A_918 : vector<1x16xi32> to vector<16xi32>
      %add3A_920 = arith.addi %get3A_919, %get3A_919 : vector<16xi32>
      %swap3A_921 = arith.constant 1 : i32
      %swap3A_922 = arith.index_cast %swap3A_921 : i32 to index
      %swap3A_923 = arith.constant 416 : index
      %swap3A_924 = tpu.vector_load %arg5[%swap3A_922, %swap3A_923] {strides = array<i32>} : memref<2x512xi32, #tpu.memory_space<vmem>>, vector<1x16xi32>,
      %swap3A_925 = vector.shape_cast %swap3A_924 : vector<1x16xi32> to vector<16xi32>
      %swap3A_926 = vector.shape_cast %add3A_920 : vector<16xi32> to vector<1x16xi32>
      tpu.vector_store %arg5[%swap3A_922, %swap3A_923], %swap3A_926 {strides = array<i32>} : memref<2x512xi32, #tpu.memory_space<vmem>>, vector<1x16xi32>,
      %get3A_927 = arith.constant 1 : i32
      %get3A_928 = arith.index_cast %get3A_927 : i32 to index
      %get3A_929 = arith.constant 432 : index
      %get3A_930 = tpu.vector_load %arg5[%get3A_928, %get3A_929] {strides = array<i32>} : memref<2x512xi32, #tpu.memory_space<vmem>>, vector<1x16xi32>,
      %get3A_931 = vector.shape_cast %get3A_930 : vector<1x16xi32> to vector<16xi32>
      %add3A_932 = arith.addi %get3A_931, %get3A_931 : vector<16xi32>
      %swap3A_933 = arith.constant 1 : i32
      %swap3A_934 = arith.index_cast %swap3A_933 : i32 to index
      %swap3A_935 = arith.constant 432 : index
      %swap3A_936 = tpu.vector_load %arg5[%swap3A_934, %swap3A_935] {strides = array<i32>} : memref<2x512xi32, #tpu.memory_space<vmem>>, vector<1x16xi32>,
      %swap3A_937 = vector.shape_cast %swap3A_936 : vector<1x16xi32> to vector<16xi32>
      %swap3A_938 = vector.shape_cast %add3A_932 : vector<16xi32> to vector<1x16xi32>
      tpu.vector_store %arg5[%swap3A_934, %swap3A_935], %swap3A_938 {strides = array<i32>} : memref<2x512xi32, #tpu.memory_space<vmem>>, vector<1x16xi32>,
      %get3A_939 = arith.constant 1 : i32
      %get3A_940 = arith.index_cast %get3A_939 : i32 to index
      %get3A_941 = arith.constant 448 : index
      %get3A_942 = tpu.vector_load %arg5[%get3A_940, %get3A_941] {strides = array<i32>} : memref<2x512xi32, #tpu.memory_space<vmem>>, vector<1x16xi32>,
      %get3A_943 = vector.shape_cast %get3A_942 : vector<1x16xi32> to vector<16xi32>
      %add3A_944 = arith.addi %get3A_943, %get3A_943 : vector<16xi32>
      %swap3A_945 = arith.constant 1 : i32
      %swap3A_946 = arith.index_cast %swap3A_945 : i32 to index
      %swap3A_947 = arith.constant 448 : index
      %swap3A_948 = tpu.vector_load %arg5[%swap3A_946, %swap3A_947] {strides = array<i32>} : memref<2x512xi32, #tpu.memory_space<vmem>>, vector<1x16xi32>,
      %swap3A_949 = vector.shape_cast %swap3A_948 : vector<1x16xi32> to vector<16xi32>
      %swap3A_950 = vector.shape_cast %add3A_944 : vector<16xi32> to vector<1x16xi32>
      tpu.vector_store %arg5[%swap3A_946, %swap3A_947], %swap3A_950 {strides = array<i32>} : memref<2x512xi32, #tpu.memory_space<vmem>>, vector<1x16xi32>,
      %get3A_951 = arith.constant 1 : i32
      %get3A_952 = arith.index_cast %get3A_951 : i32 to index
      %get3A_953 = arith.constant 464 : index
      %get3A_954 = tpu.vector_load %arg5[%get3A_952, %get3A_953] {strides = array<i32>} : memref<2x512xi32, #tpu.memory_space<vmem>>, vector<1x16xi32>,
      %get3A_955 = vector.shape_cast %get3A_954 : vector<1x16xi32> to vector<16xi32>
      %add3A_956 = arith.addi %get3A_955, %get3A_955 : vector<16xi32>
      %swap3A_957 = arith.constant 1 : i32
      %swap3A_958 = arith.index_cast %swap3A_957 : i32 to index
      %swap3A_959 = arith.constant 464 : index
      %swap3A_960 = tpu.vector_load %arg5[%swap3A_958, %swap3A_959] {strides = array<i32>} : memref<2x512xi32, #tpu.memory_space<vmem>>, vector<1x16xi32>,
      %swap3A_961 = vector.shape_cast %swap3A_960 : vector<1x16xi32> to vector<16xi32>
      %swap3A_962 = vector.shape_cast %add3A_956 : vector<16xi32> to vector<1x16xi32>
      tpu.vector_store %arg5[%swap3A_958, %swap3A_959], %swap3A_962 {strides = array<i32>} : memref<2x512xi32, #tpu.memory_space<vmem>>, vector<1x16xi32>,
      %get3A_963 = arith.constant 1 : i32
      %get3A_964 = arith.index_cast %get3A_963 : i32 to index
      %get3A_965 = arith.constant 480 : index
      %get3A_966 = tpu.vector_load %arg5[%get3A_964, %get3A_965] {strides = array<i32>} : memref<2x512xi32, #tpu.memory_space<vmem>>, vector<1x16xi32>,
      %get3A_967 = vector.shape_cast %get3A_966 : vector<1x16xi32> to vector<16xi32>
      %add3A_968 = arith.addi %get3A_967, %get3A_967 : vector<16xi32>
      %swap3A_969 = arith.constant 1 : i32
      %swap3A_970 = arith.index_cast %swap3A_969 : i32 to index
      %swap3A_971 = arith.constant 480 : index
      %swap3A_972 = tpu.vector_load %arg5[%swap3A_970, %swap3A_971] {strides = array<i32>} : memref<2x512xi32, #tpu.memory_space<vmem>>, vector<1x16xi32>,
      %swap3A_973 = vector.shape_cast %swap3A_972 : vector<1x16xi32> to vector<16xi32>
      %swap3A_974 = vector.shape_cast %add3A_968 : vector<16xi32> to vector<1x16xi32>
      tpu.vector_store %arg5[%swap3A_970, %swap3A_971], %swap3A_974 {strides = array<i32>} : memref<2x512xi32, #tpu.memory_space<vmem>>, vector<1x16xi32>,
      %get3A_975 = arith.constant 1 : i32
      %get3A_976 = arith.index_cast %get3A_975 : i32 to index
      %get3A_977 = arith.constant 496 : index
      %get3A_978 = tpu.vector_load %arg5[%get3A_976, %get3A_977] {strides = array<i32>} : memref<2x512xi32, #tpu.memory_space<vmem>>, vector<1x16xi32>,
      %get3A_979 = vector.shape_cast %get3A_978 : vector<1x16xi32> to vector<16xi32>
      %add3A_980 = arith.addi %get3A_979, %get3A_979 : vector<16xi32>
      %swap3A_981 = arith.constant 1 : i32
      %swap3A_982 = arith.index_cast %swap3A_981 : i32 to index
      %swap3A_983 = arith.constant 496 : index
      %swap3A_984 = tpu.vector_load %arg5[%swap3A_982, %swap3A_983] {strides = array<i32>} : memref<2x512xi32, #tpu.memory_space<vmem>>, vector<1x16xi32>,
      %swap3A_985 = vector.shape_cast %swap3A_984 : vector<1x16xi32> to vector<16xi32>
      %swap3A_986 = vector.shape_cast %add3A_980 : vector<16xi32> to vector<1x16xi32>
      tpu.vector_store %arg5[%swap3A_982, %swap3A_983], %swap3A_986 {strides = array<i32>} : memref<2x512xi32, #tpu.memory_space<vmem>>, vector<1x16xi32>,
      %dma_start3A_987 = arith.constant 1 : i32
      %dma_start3A_988 = arith.constant 1 : i32
      %dma_start3A_989 = arith.constant 1 : i32
      %dma_start3A_990 = arith.constant 0 : i32
      %dma_start3A_991 = arith.constant 0 : i32
      %dma_start3A_992 = tpu.memref_slice %arg6[%dma_start3A_988, %dma_start3A_990, %dma_start3A_991] : memref<2x512x64xf32, #tpu.memory_space<vmem>> -> memref<1x128x64xf32, #tpu.memory_space<vmem>>
      %dma_start3A_993 = tpu.memref_squeeze %dma_start3A_992 : memref<1x128x64xf32, #tpu.memory_space<vmem>> -> memref<128x64xf32, #tpu.memory_space<vmem>>
      %dma_start3A_994 = arith.constant 0 : i32
      %dma_start3A_995 = tpu.memref_slice %arg5[%dma_start3A_987, %dma_start3A_994] : memref<2x512xi32, #tpu.memory_space<vmem>> -> memref<1x128xi32, #tpu.memory_space<vmem>>
      %dma_start3A_996 = tpu.memref_squeeze %dma_start3A_995 : memref<1x128xi32, #tpu.memory_space<vmem>> -> memref<128xi32, #tpu.memory_space<vmem>>
      %dma_start3A_997 = arith.constant 0 : i32
      %dma_start3A_998 = arith.constant 0 : i32
      %dma_start3A_999 = tpu.memref_slice %arg3[%dma_start3A_997, %dma_start3A_998] : memref<2000000x64xf32, #tpu.memory_space<hbm>> -> memref<2000000x64xf32, #tpu.memory_space<hbm>>
      %dma_start3A_1000 = tpu.memref_slice %arg8[%dma_start3A_989] : memref<2x!tpu.dma_semaphore, #tpu.memory_space<semaphore_mem>> -> memref<1x!tpu.dma_semaphore, #tpu.memory_space<semaphore_mem>>
      %dma_start3A_1001 = tpu.memref_squeeze %dma_start3A_1000 : memref<1x!tpu.dma_semaphore, #tpu.memory_space<semaphore_mem>> -> memref<!tpu.dma_semaphore, #tpu.memory_space<semaphore_mem>>
      tpu.enqueue_indirect_dma source(%dma_start3A_999 : memref<2000000x64xf32, #tpu.memory_space<hbm>>) target(%dma_start3A_993 : memref<128x64xf32, #tpu.memory_space<vmem>>) offsets(%dma_start3A_996 : memref<128xi32, #tpu.memory_space<vmem>>) semaphore(%dma_start3A_1001 : memref<!tpu.dma_semaphore, #tpu.memory_space<semaphore_mem>>)
      %dma_start3A_1002 = arith.constant 1 : i32
      %dma_start3A_1003 = arith.constant 1 : i32
      %dma_start3A_1004 = arith.constant 1 : i32
      %dma_start3A_1005 = arith.constant 128 : i32
      %dma_start3A_1006 = arith.constant 0 : i32
      %dma_start3A_1007 = tpu.memref_slice %arg6[%dma_start3A_1003, %dma_start3A_1005, %dma_start3A_1006] : memref<2x512x64xf32, #tpu.memory_space<vmem>> -> memref<1x128x64xf32, #tpu.memory_space<vmem>>
      %dma_start3A_1008 = tpu.memref_squeeze %dma_start3A_1007 : memref<1x128x64xf32, #tpu.memory_space<vmem>> -> memref<128x64xf32, #tpu.memory_space<vmem>>
      %dma_start3A_1009 = arith.constant 128 : i32
      %dma_start3A_1010 = tpu.memref_slice %arg5[%dma_start3A_1002, %dma_start3A_1009] : memref<2x512xi32, #tpu.memory_space<vmem>> -> memref<1x128xi32, #tpu.memory_space<vmem>>
      %dma_start3A_1011 = tpu.memref_squeeze %dma_start3A_1010 : memref<1x128xi32, #tpu.memory_space<vmem>> -> memref<128xi32, #tpu.memory_space<vmem>>
      %dma_start3A_1012 = arith.constant 0 : i32
      %dma_start3A_1013 = arith.constant 0 : i32
      %dma_start3A_1014 = tpu.memref_slice %arg3[%dma_start3A_1012, %dma_start3A_1013] : memref<2000000x64xf32, #tpu.memory_space<hbm>> -> memref<2000000x64xf32, #tpu.memory_space<hbm>>
      %dma_start3A_1015 = tpu.memref_slice %arg8[%dma_start3A_1004] : memref<2x!tpu.dma_semaphore, #tpu.memory_space<semaphore_mem>> -> memref<1x!tpu.dma_semaphore, #tpu.memory_space<semaphore_mem>>
      %dma_start3A_1016 = tpu.memref_squeeze %dma_start3A_1015 : memref<1x!tpu.dma_semaphore, #tpu.memory_space<semaphore_mem>> -> memref<!tpu.dma_semaphore, #tpu.memory_space<semaphore_mem>>
      tpu.enqueue_indirect_dma source(%dma_start3A_1014 : memref<2000000x64xf32, #tpu.memory_space<hbm>>) target(%dma_start3A_1008 : memref<128x64xf32, #tpu.memory_space<vmem>>) offsets(%dma_start3A_1011 : memref<128xi32, #tpu.memory_space<vmem>>) semaphore(%dma_start3A_1016 : memref<!tpu.dma_semaphore, #tpu.memory_space<semaphore_mem>>)
      %dma_start3A_1017 = arith.constant 1 : i32
      %dma_start3A_1018 = arith.constant 1 : i32
      %dma_start3A_1019 = arith.constant 1 : i32
      %dma_start3A_1020 = arith.constant 256 : i32
      %dma_start3A_1021 = arith.constant 0 : i32
      %dma_start3A_1022 = tpu.memref_slice %arg6[%dma_start3A_1018, %dma_start3A_1020, %dma_start3A_1021] : memref<2x512x64xf32, #tpu.memory_space<vmem>> -> memref<1x128x64xf32, #tpu.memory_space<vmem>>
      %dma_start3A_1023 = tpu.memref_squeeze %dma_start3A_1022 : memref<1x128x64xf32, #tpu.memory_space<vmem>> -> memref<128x64xf32, #tpu.memory_space<vmem>>
      %dma_start3A_1024 = arith.constant 256 : i32
      %dma_start3A_1025 = tpu.memref_slice %arg5[%dma_start3A_1017, %dma_start3A_1024] : memref<2x512xi32, #tpu.memory_space<vmem>> -> memref<1x128xi32, #tpu.memory_space<vmem>>
      %dma_start3A_1026 = tpu.memref_squeeze %dma_start3A_1025 : memref<1x128xi32, #tpu.memory_space<vmem>> -> memref<128xi32, #tpu.memory_space<vmem>>
      %dma_start3A_1027 = arith.constant 0 : i32
      %dma_start3A_1028 = arith.constant 0 : i32
      %dma_start3A_1029 = tpu.memref_slice %arg3[%dma_start3A_1027, %dma_start3A_1028] : memref<2000000x64xf32, #tpu.memory_space<hbm>> -> memref<2000000x64xf32, #tpu.memory_space<hbm>>
      %dma_start3A_1030 = tpu.memref_slice %arg8[%dma_start3A_1019] : memref<2x!tpu.dma_semaphore, #tpu.memory_space<semaphore_mem>> -> memref<1x!tpu.dma_semaphore, #tpu.memory_space<semaphore_mem>>
      %dma_start3A_1031 = tpu.memref_squeeze %dma_start3A_1030 : memref<1x!tpu.dma_semaphore, #tpu.memory_space<semaphore_mem>> -> memref<!tpu.dma_semaphore, #tpu.memory_space<semaphore_mem>>
      tpu.enqueue_indirect_dma source(%dma_start3A_1029 : memref<2000000x64xf32, #tpu.memory_space<hbm>>) target(%dma_start3A_1023 : memref<128x64xf32, #tpu.memory_space<vmem>>) offsets(%dma_start3A_1026 : memref<128xi32, #tpu.memory_space<vmem>>) semaphore(%dma_start3A_1031 : memref<!tpu.dma_semaphore, #tpu.memory_space<semaphore_mem>>)
      %dma_start3A_1032 = arith.constant 1 : i32
      %dma_start3A_1033 = arith.constant 1 : i32
      %dma_start3A_1034 = arith.constant 1 : i32
      %dma_start3A_1035 = arith.constant 384 : i32
      %dma_start3A_1036 = arith.constant 0 : i32
      %dma_start3A_1037 = tpu.memref_slice %arg6[%dma_start3A_1033, %dma_start3A_1035, %dma_start3A_1036] : memref<2x512x64xf32, #tpu.memory_space<vmem>> -> memref<1x128x64xf32, #tpu.memory_space<vmem>>
      %dma_start3A_1038 = tpu.memref_squeeze %dma_start3A_1037 : memref<1x128x64xf32, #tpu.memory_space<vmem>> -> memref<128x64xf32, #tpu.memory_space<vmem>>
      %dma_start3A_1039 = arith.constant 384 : i32
      %dma_start3A_1040 = tpu.memref_slice %arg5[%dma_start3A_1032, %dma_start3A_1039] : memref<2x512xi32, #tpu.memory_space<vmem>> -> memref<1x128xi32, #tpu.memory_space<vmem>>
      %dma_start3A_1041 = tpu.memref_squeeze %dma_start3A_1040 : memref<1x128xi32, #tpu.memory_space<vmem>> -> memref<128xi32, #tpu.memory_space<vmem>>
      %dma_start3A_1042 = arith.constant 0 : i32
      %dma_start3A_1043 = arith.constant 0 : i32
      %dma_start3A_1044 = tpu.memref_slice %arg3[%dma_start3A_1042, %dma_start3A_1043] : memref<2000000x64xf32, #tpu.memory_space<hbm>> -> memref<2000000x64xf32, #tpu.memory_space<hbm>>
      %dma_start3A_1045 = tpu.memref_slice %arg8[%dma_start3A_1034] : memref<2x!tpu.dma_semaphore, #tpu.memory_space<semaphore_mem>> -> memref<1x!tpu.dma_semaphore, #tpu.memory_space<semaphore_mem>>
      %dma_start3A_1046 = tpu.memref_squeeze %dma_start3A_1045 : memref<1x!tpu.dma_semaphore, #tpu.memory_space<semaphore_mem>> -> memref<!tpu.dma_semaphore, #tpu.memory_space<semaphore_mem>>
      tpu.enqueue_indirect_dma source(%dma_start3A_1044 : memref<2000000x64xf32, #tpu.memory_space<hbm>>) target(%dma_start3A_1038 : memref<128x64xf32, #tpu.memory_space<vmem>>) offsets(%dma_start3A_1041 : memref<128xi32, #tpu.memory_space<vmem>>) semaphore(%dma_start3A_1046 : memref<!tpu.dma_semaphore, #tpu.memory_space<semaphore_mem>>)
      %dma_wait3A_1047 = arith.constant 1 : i32
      %dma_wait3A_1048 = arith.constant 1 : i32
      %dma_wait3A_1049 = arith.constant 0 : i32
      %dma_wait3A_1050 = arith.constant 0 : i32
      %dma_wait3A_1051 = tpu.memref_slice %arg6[%dma_wait3A_1047, %dma_wait3A_1049, %dma_wait3A_1050] : memref<2x512x64xf32, #tpu.memory_space<vmem>> -> memref<1x512x64xf32, #tpu.memory_space<vmem>>
      %dma_wait3A_1052 = tpu.memref_squeeze %dma_wait3A_1051 : memref<1x512x64xf32, #tpu.memory_space<vmem>> -> memref<512x64xf32, #tpu.memory_space<vmem>>
      %dma_wait3A_1053 = arith.constant 0 : i32
      %dma_wait3A_1054 = arith.constant 0 : i32
      %dma_wait3A_1055 = tpu.memref_slice %arg3[%dma_wait3A_1053, %dma_wait3A_1054] : memref<2000000x64xf32, #tpu.memory_space<hbm>> -> memref<512x64xf32, #tpu.memory_space<hbm>>
      %dma_wait3A_1056 = tpu.memref_slice %arg8[%dma_wait3A_1048] : memref<2x!tpu.dma_semaphore, #tpu.memory_space<semaphore_mem>> -> memref<1x!tpu.dma_semaphore, #tpu.memory_space<semaphore_mem>>
      %dma_wait3A_1057 = tpu.memref_squeeze %dma_wait3A_1056 : memref<1x!tpu.dma_semaphore, #tpu.memory_space<semaphore_mem>> -> memref<!tpu.dma_semaphore, #tpu.memory_space<semaphore_mem>>
      %dma_wait3A_1058 = arith.constant 0 : i32
      %dma_wait3A_1059 = arith.constant 0 : i32
      %dma_wait3A_1060 = tpu.memref_slice %arg6[%dma_wait3A_1047, %dma_wait3A_1058, %dma_wait3A_1059] : memref<2x512x64xf32, #tpu.memory_space<vmem>> -> memref<1x512x64xf32, #tpu.memory_space<vmem>>
      %dma_wait3A_1061 = tpu.memref_squeeze %dma_wait3A_1060 : memref<1x512x64xf32, #tpu.memory_space<vmem>> -> memref<512x64xf32, #tpu.memory_space<vmem>>
      %dma_wait3A_1062 = arith.constant 0 : i32
      %dma_wait3A_1063 = arith.constant 0 : i32
      %dma_wait3A_1064 = tpu.memref_slice %arg3[%dma_wait3A_1062, %dma_wait3A_1063] : memref<2000000x64xf32, #tpu.memory_space<hbm>> -> memref<512x64xf32, #tpu.memory_space<hbm>>
      tpu.wait_dma2 semaphore(%dma_wait3A_1057 : memref<!tpu.dma_semaphore, #tpu.memory_space<semaphore_mem>>) src(%dma_wait3A_1064 : memref<512x64xf32, #tpu.memory_space<hbm>>) dst(%dma_wait3A_1061 : memref<512x64xf32, #tpu.memory_space<vmem>>)
      %lt3A_1065 = arith.constant 24 : i32
      %lt3A_1066 = arith.cmpi slt, %scan3A_73, %lt3A_1065 : i32
      %convert_element_type3A_1067 = arith.extui %lt3A_1066 : i1 to i32
      %cond3A_1068 = arith.constant 0 : i32
      %cond3A_1069 = arith.cmpi ne, %convert_element_type3A_1067, %cond3A_1068 : i32
      scf.if %cond3A_1069 {
        %add3A_1090 = arith.constant 2 : i32
        %add3A_1091 = arith.addi %add3A_582, %add3A_1090 : i32
        %mul3A_1092 = arith.constant 512 : i32
        %mul3A_1093 = arith.muli %add3A_1091, %mul3A_1092 : i32
        %add3A_1094 = arith.addi %mul3A_2, %mul3A_1093 : i32
        %multiple_of3A_1095 = tpu.assume_multiple %add3A_1094, 512 : i32
        %dma_start3A_1096 = arith.constant 1 : i32
        %dma_start3A_1097 = arith.constant 1 : i32
        %dma_start3A_1098 = arith.constant 0 : i32
        %dma_start3A_1099 = tpu.memref_slice %arg5[%dma_start3A_1096, %dma_start3A_1098] : memref<2x512xi32, #tpu.memory_space<vmem>> -> memref<1x512xi32, #tpu.memory_space<vmem>>
        %dma_start3A_1100 = tpu.memref_squeeze %dma_start3A_1099 : memref<1x512xi32, #tpu.memory_space<vmem>> -> memref<512xi32, #tpu.memory_space<vmem>>
        %dma_start3A_1101 = tpu.memref_slice %arg2[%multiple_of3A_1095] : memref<819200xi32, #tpu.memory_space<hbm>> -> memref<512xi32, #tpu.memory_space<hbm>>
        %dma_start3A_1102 = tpu.memref_slice %arg7[%dma_start3A_1097] : memref<2x!tpu.dma_semaphore, #tpu.memory_space<semaphore_mem>> -> memref<1x!tpu.dma_semaphore, #tpu.memory_space<semaphore_mem>>
        %dma_start3A_1103 = tpu.memref_squeeze %dma_start3A_1102 : memref<1x!tpu.dma_semaphore, #tpu.memory_space<semaphore_mem>> -> memref<!tpu.dma_semaphore, #tpu.memory_space<semaphore_mem>>
        %dma_start3A_1104 = arith.constant 0 : i32
        %dma_start3A_1105 = tpu.memref_slice %arg5[%dma_start3A_1096, %dma_start3A_1104] : memref<2x512xi32, #tpu.memory_space<vmem>> -> memref<1x512xi32, #tpu.memory_space<vmem>>
        %dma_start3A_1106 = tpu.memref_squeeze %dma_start3A_1105 : memref<1x512xi32, #tpu.memory_space<vmem>> -> memref<512xi32, #tpu.memory_space<vmem>>
        %dma_start3A_1107 = tpu.memref_slice %arg2[%multiple_of3A_1095] : memref<819200xi32, #tpu.memory_space<hbm>> -> memref<512xi32, #tpu.memory_space<hbm>>
        tpu.enqueue_dma source(%dma_start3A_1107 : memref<512xi32, #tpu.memory_space<hbm>>) target(%dma_start3A_1106 : memref<512xi32, #tpu.memory_space<vmem>>) target_semaphore(%dma_start3A_1103 : memref<!tpu.dma_semaphore, #tpu.memory_space<semaphore_mem>>)
      } else {
      }
      %mul3A_1070 = arith.constant 512 : i32
      %mul3A_1071 = arith.muli %add3A_582, %mul3A_1070 : i32
      %add3A_1072 = arith.addi %mul3A_2, %mul3A_1071 : i32
      %multiple_of3A_1073 = tpu.assume_multiple %add3A_1072, 512 : i32
      %dma_start3A_1074 = arith.constant 1 : i32
      %dma_start3A_1075 = arith.constant 1 : i32
      %dma_start3A_1076 = arith.constant 0 : i32
      %dma_start3A_1077 = arith.constant 0 : i32
      %dma_start3A_1078 = tpu.memref_slice %arg6[%dma_start3A_1074, %dma_start3A_1076, %dma_start3A_1077] : memref<2x512x64xf32, #tpu.memory_space<vmem>> -> memref<1x512x64xf32, #tpu.memory_space<vmem>>
      %dma_start3A_1079 = tpu.memref_squeeze %dma_start3A_1078 : memref<1x512x64xf32, #tpu.memory_space<vmem>> -> memref<512x64xf32, #tpu.memory_space<vmem>>
      %dma_start3A_1080 = arith.constant 0 : i32
      %dma_start3A_1081 = tpu.memref_slice %arg4[%multiple_of3A_1073, %dma_start3A_1080] : memref<819200x128xf32, #tpu.memory_space<hbm>> -> memref<512x64xf32, #tpu.memory_space<hbm>>
      %dma_start3A_1082 = tpu.memref_slice %arg9[%dma_start3A_1075] : memref<2x!tpu.dma_semaphore, #tpu.memory_space<semaphore_mem>> -> memref<1x!tpu.dma_semaphore, #tpu.memory_space<semaphore_mem>>
      %dma_start3A_1083 = tpu.memref_squeeze %dma_start3A_1082 : memref<1x!tpu.dma_semaphore, #tpu.memory_space<semaphore_mem>> -> memref<!tpu.dma_semaphore, #tpu.memory_space<semaphore_mem>>
      %dma_start3A_1084 = arith.constant 0 : i32
      %dma_start3A_1085 = tpu.memref_slice %arg4[%multiple_of3A_1073, %dma_start3A_1084] : memref<819200x128xf32, #tpu.memory_space<hbm>> -> memref<512x64xf32, #tpu.memory_space<hbm>>
      %dma_start3A_1086 = arith.constant 0 : i32
      %dma_start3A_1087 = arith.constant 0 : i32
      %dma_start3A_1088 = tpu.memref_slice %arg6[%dma_start3A_1074, %dma_start3A_1086, %dma_start3A_1087] : memref<2x512x64xf32, #tpu.memory_space<vmem>> -> memref<1x512x64xf32, #tpu.memory_space<vmem>>
      %dma_start3A_1089 = tpu.memref_squeeze %dma_start3A_1088 : memref<1x512x64xf32, #tpu.memory_space<vmem>> -> memref<512x64xf32, #tpu.memory_space<vmem>>
      tpu.enqueue_dma source(%dma_start3A_1089 : memref<512x64xf32, #tpu.memory_space<vmem>>) target(%dma_start3A_1085 : memref<512x64xf32, #tpu.memory_space<hbm>>) target_semaphore(%dma_start3A_1083 : memref<!tpu.dma_semaphore, #tpu.memory_space<semaphore_mem>>)
    }
    %scan3A_35 = arith.constant 25 : i32
    %add3A_36 = arith.constant 0 : i32
    %add3A_37 = arith.addi %mul3A_2, %add3A_36 : i32
    %multiple_of3A_38 = tpu.assume_multiple %add3A_37, 512 : i32
    %dma_wait3A = arith.constant 0 : i32
    %dma_wait3A_39 = arith.constant 0 : i32
    %dma_wait3A_40 = arith.constant 0 : i32
    %dma_wait3A_41 = arith.constant 0 : i32
    %dma_wait3A_42 = tpu.memref_slice %arg6[%dma_wait3A, %dma_wait3A_40, %dma_wait3A_41] : memref<2x512x64xf32, #tpu.memory_space<vmem>> -> memref<1x512x64xf32, #tpu.memory_space<vmem>>
    %dma_wait3A_43 = tpu.memref_squeeze %dma_wait3A_42 : memref<1x512x64xf32, #tpu.memory_space<vmem>> -> memref<512x64xf32, #tpu.memory_space<vmem>>
    %dma_wait3A_44 = arith.constant 0 : i32
    %dma_wait3A_45 = tpu.memref_slice %arg4[%multiple_of3A_38, %dma_wait3A_44] : memref<819200x128xf32, #tpu.memory_space<hbm>> -> memref<512x64xf32, #tpu.memory_space<hbm>>
    %dma_wait3A_46 = tpu.memref_slice %arg9[%dma_wait3A_39] : memref<2x!tpu.dma_semaphore, #tpu.memory_space<semaphore_mem>> -> memref<1x!tpu.dma_semaphore, #tpu.memory_space<semaphore_mem>>
    %dma_wait3A_47 = tpu.memref_squeeze %dma_wait3A_46 : memref<1x!tpu.dma_semaphore, #tpu.memory_space<semaphore_mem>> -> memref<!tpu.dma_semaphore, #tpu.memory_space<semaphore_mem>>
    %dma_wait3A_48 = arith.constant 0 : i32
    %dma_wait3A_49 = tpu.memref_slice %arg4[%multiple_of3A_38, %dma_wait3A_48] : memref<819200x128xf32, #tpu.memory_space<hbm>> -> memref<512x64xf32, #tpu.memory_space<hbm>>
    %dma_wait3A_50 = arith.constant 0 : i32
    %dma_wait3A_51 = arith.constant 0 : i32
    %dma_wait3A_52 = tpu.memref_slice %arg6[%dma_wait3A, %dma_wait3A_50, %dma_wait3A_51] : memref<2x512x64xf32, #tpu.memory_space<vmem>> -> memref<1x512x64xf32, #tpu.memory_space<vmem>>
    %dma_wait3A_53 = tpu.memref_squeeze %dma_wait3A_52 : memref<1x512x64xf32, #tpu.memory_space<vmem>> -> memref<512x64xf32, #tpu.memory_space<vmem>>
    tpu.wait_dma2 semaphore(%dma_wait3A_47 : memref<!tpu.dma_semaphore, #tpu.memory_space<semaphore_mem>>) src(%dma_wait3A_53 : memref<512x64xf32, #tpu.memory_space<vmem>>) dst(%dma_wait3A_49 : memref<512x64xf32, #tpu.memory_space<hbm>>)
    %add3A_54 = arith.constant 0 : i32
    %add3A_55 = arith.addi %mul3A_2, %add3A_54 : i32
    %multiple_of3A_56 = tpu.assume_multiple %add3A_55, 512 : i32
    %dma_wait3A_57 = arith.constant 1 : i32
    %dma_wait3A_58 = arith.constant 1 : i32
    %dma_wait3A_59 = arith.constant 0 : i32
    %dma_wait3A_60 = arith.constant 0 : i32
    %dma_wait3A_61 = tpu.memref_slice %arg6[%dma_wait3A_57, %dma_wait3A_59, %dma_wait3A_60] : memref<2x512x64xf32, #tpu.memory_space<vmem>> -> memref<1x512x64xf32, #tpu.memory_space<vmem>>
    %dma_wait3A_62 = tpu.memref_squeeze %dma_wait3A_61 : memref<1x512x64xf32, #tpu.memory_space<vmem>> -> memref<512x64xf32, #tpu.memory_space<vmem>>
    %dma_wait3A_63 = arith.constant 0 : i32
    %dma_wait3A_64 = tpu.memref_slice %arg4[%multiple_of3A_56, %dma_wait3A_63] : memref<819200x128xf32, #tpu.memory_space<hbm>> -> memref<512x64xf32, #tpu.memory_space<hbm>>
    %dma_wait3A_65 = tpu.memref_slice %arg9[%dma_wait3A_58] : memref<2x!tpu.dma_semaphore, #tpu.memory_space<semaphore_mem>> -> memref<1x!tpu.dma_semaphore, #tpu.memory_space<semaphore_mem>>
    %dma_wait3A_66 = tpu.memref_squeeze %dma_wait3A_65 : memref<1x!tpu.dma_semaphore, #tpu.memory_space<semaphore_mem>> -> memref<!tpu.dma_semaphore, #tpu.memory_space<semaphore_mem>>
    %dma_wait3A_67 = arith.constant 0 : i32
    %dma_wait3A_68 = tpu.memref_slice %arg4[%multiple_of3A_56, %dma_wait3A_67] : memref<819200x128xf32, #tpu.memory_space<hbm>> -> memref<512x64xf32, #tpu.memory_space<hbm>>
    %dma_wait3A_69 = arith.constant 0 : i32
    %dma_wait3A_70 = arith.constant 0 : i32
    %dma_wait3A_71 = tpu.memref_slice %arg6[%dma_wait3A_57, %dma_wait3A_69, %dma_wait3A_70] : memref<2x512x64xf32, #tpu.memory_space<vmem>> -> memref<1x512x64xf32, #tpu.memory_space<vmem>>
    %dma_wait3A_72 = tpu.memref_squeeze %dma_wait3A_71 : memref<1x512x64xf32, #tpu.memory_space<vmem>> -> memref<512x64xf32, #tpu.memory_space<vmem>>
    tpu.wait_dma2 semaphore(%dma_wait3A_66 : memref<!tpu.dma_semaphore, #tpu.memory_space<semaphore_mem>>) src(%dma_wait3A_72 : memref<512x64xf32, #tpu.memory_space<vmem>>) dst(%dma_wait3A_68 : memref<512x64xf32, #tpu.memory_space<hbm>>)
    return
  }
}

</mosaic_0001>

<sc_bundles>
// kernel: kernel.3.cloned.1.call-start
scs
__scs_entry_jumppad:
0x0: {  	(pc) =	sbr.rel $0x88, $3  }
0x1: {  	(tag) =	ssettag $0x0;
	lr =	simm.s32 $0x1  }
0x2: {  	[smem:$0x3F9F] =	sst lr;
	_ =	strace $0xD0000000  }
0x3: {  	_ = 	snop  }
0x4: {  	_ = 	snop  }
0x5: {  	_ = 	snop  }
0x6: {  	_ = 	snop  }
0x7: {  	_ = 	snop  }
__scs_overlays_trampoline_lowered:
0x8: {  	[smem:$0x3FAE] =	sst s0  }
0x9: {  	[smem:$0x3FAF] =	sst s1  }
0xa: {  	[smem:$0x3FB0] =	sst s2  }
0xb: {  	[smem:$0x3FB1] =	sst s3  }
0xc: {  	[smem:$0x3FB2] =	sst s4  }
0xd: {  	[smem:$0x3FB3] =	sst s5  }
0xe: {  	[smem:$0x3FB4] =	sst s6  }
0xf: {  	[smem:$0x3FB5] =	sst s7  }
0x10: {  	[smem:$0x3FB6] =	sst s8  }
0x11: {  	[smem:$0x3FB7] =	sst s9;
	s0 =	simm.s32 @!p0 $0x0  }
0x12: {  	s1 =	sld [smem:$0x3F9D];
	s0 =	simm.s32 @p0 $0x1  }
0x13: {  	[smem:$0x3FB8] =	sst s0;
	s0 =	simm.s32 @!p1 $0x0  }
0x14: {  	s2 =	sld [smem:$0x3F9C];
	s0 =	simm.s32 @p1 $0x1  }
0x15: {  	[smem:$0x3FB9] =	sst s0;
	s0 =	simm.s32 @!p2 $0x0  }
0x16: {  	s3 =	sld [smem:$0x3FDB];
	s0 =	simm.s32 @p2 $0x1  }
0x17: {  	s4 =	simm.s32 $0x1BF5;
	[smem:$0x3FBB] =	sst s0  }
0x18: {  	s0 =	sld [smem:$0x3F9E];
	_ =	swait.ge [sflag:s4], $0x0  }
0x19: {  	s7 =	sld [smem:$0x3F9F]  }
0x1a: {  	s8 =	sadd.s32 $0xFFFFE003, lr  }
0x1b: {  	s9 =	sadd.s32 $0xFFFFFEF7, lr;
	s5 =	simm.s32 $0xFFFFFFFF;
	p2 =	slt.u32 s8, $0xFFFFF086  }
0x1c: {  	p1 =	slt.u32 s9, $0xF7A;
	s5 =	simm.s32 @!p2 $0x0  }
0x1d: {  	s5 =	simm.s32 @p1 $0x1;
	p0 =	seq.s32 s7, s2  }
0x1e: {  	s7 =	smul.u32 @!p0 $0xF7A, s2;
	p2 =	seq.s32 @!p0 s5, $0x0  }
0x1f: {  	s9 =	smul.u32 $0xF7A, s1;
	s8 =	simm.s32 @!p0 $0x1BF5;
	p2 =	por !p2, p0  }
0x20: {  	[sflag:s8] =	ssyncset.s32 @!p0 $0xFFFFF086;
	s6 =	sadd.s32 @!p0 s3, s7;
	s7 =	simm.s32 @!p0 $0x108  }
0x21: {  	s3 =	sadd.s32 s3, s9;
	s6 =	sadd.s32 @!p0 $0x88, s6;
	s7 =	simm.s32 @p2 $0x1082  }
0x22: {  	[simem:s7], [sflag:s8] =	dma.local @!p0 [hbm:s6], $0xF7A  }
0x23: {  	s9 =	sor.u32 $0xD0000000, s2;
	s6 =	simm.s32 $0x108;
	_ =	swait.ge @!p0 [sflag:s8], $0x0  }
0x24: {  	s3 =	sadd.s32 $0x88, s3;
	s6 =	simm.s32 @!p1 $0x1082;
	[sflag:s4] =	ssyncset.s32 $0xFFFFF086  }
0x25: {  	[simem:s6], [sflag:s4] =	dma.local [hbm:s3], $0xF7A  }
0x26: {  	[smem:$0x3F9F] =	sst s1;
	(tag) =	ssettag s2;
	_ =	strace s9  }
0x27: {  	s1 =	sld [smem:$0x3FAF]  }
0x28: {  	s2 =	sld [smem:$0x3FB0]  }
0x29: {  	s4 =	sld [smem:$0x3FB2]  }
0x2a: {  	p0 =	seq.s32 s5, $0x0;
	s5 =	sld [smem:$0x3FB3]  }
0x2b: {  	s6 =	sld [smem:$0x3FB4]  }
0x2c: {  	s7 =	sld [smem:$0x3FB5]  }
0x2d: {  	s3 =	simm.s32 $0x108;
	s8 =	sld [smem:$0x3FB6]  }
0x2e: {  	s3 =	simm.s32 @!p0 $0x1082;
	s9 =	sld [smem:$0x3FB7]  }
0x2f: {  	lr =	sadd.s32 s0, s3;
	s0 =	sld [smem:$0x3FAE]  }
0x30: {  	s3 =	sld [smem:$0x3FB1]  }
0x31: {  	[smem:$0x3FBA] =	sst s10  }
0x32: {  	s10 =	sld [smem:$0x3FB8];
	_ =	sdelay $0x3  }
0x33: {  	p0 =	seq.s32 s10, $0x1;
	s10 =	sld [smem:$0x3FBA];
	_ =	sdelay $0x3  }
0x34: {  	[smem:$0x3FBA] =	sst s10  }
0x35: {  	s10 =	sld [smem:$0x3FB9];
	_ =	sdelay $0x3  }
0x36: {  	p1 =	seq.s32 s10, $0x1;
	s10 =	sld [smem:$0x3FBA];
	_ =	sdelay $0x3  }
0x37: {  	[smem:$0x3FBA] =	sst s10  }
0x38: {  	s10 =	sld [smem:$0x3FBB]  }
0x39: {  	_ = 	snop;
	(pc) =	sbr.ind lr, $3  }
0x3a: {  	_ = 	snop  }
0x3b: {  	_ = 	snop  }
0x3c: {  	p2 =	seq.s32 s10, $0x1;
	s10 =	sld [smem:$0x3FBA]  }
0x3d: {  	_ =	shalt  }
0x3e: {  	_ =	shalt  }
0x3f: {  	_ =	shalt  }
0x40: {  	_ =	shalt  }
0x41: {  	_ =	shalt  }
0x42: {  	_ =	shalt  }
0x43: {  	_ =	shalt  }
0x44: {  	_ =	shalt  }
0x45: {  	_ =	shalt  }
0x46: {  	_ =	shalt  }
0x47: {  	_ =	shalt  }
0x48: {  	_ =	shalt  }
0x49: {  	_ =	shalt  }
0x4a: {  	_ =	shalt  }
0x4b: {  	_ =	shalt  }
0x4c: {  	_ =	shalt  }
0x4d: {  	_ =	shalt  }
0x4e: {  	_ =	shalt  }
0x4f: {  	_ =	shalt  }
0x50: {  	_ =	shalt  }
0x51: {  	_ =	shalt  }
0x52: {  	_ =	shalt  }
0x53: {  	_ =	shalt  }
0x54: {  	_ =	shalt  }
0x55: {  	_ =	shalt  }
0x56: {  	_ =	shalt  }
0x57: {  	_ =	shalt  }
0x58: {  	_ =	shalt  }
0x59: {  	_ =	shalt  }
0x5a: {  	_ =	shalt  }
0x5b: {  	_ =	shalt  }
0x5c: {  	_ =	shalt  }
0x5d: {  	_ =	shalt  }
0x5e: {  	_ =	shalt  }
0x5f: {  	_ =	shalt  }
0x60: {  	_ =	shalt  }
0x61: {  	_ =	shalt  }
0x62: {  	_ =	shalt  }
0x63: {  	_ =	shalt  }
0x64: {  	_ =	shalt  }
0x65: {  	_ =	shalt  }
0x66: {  	_ =	shalt  }
0x67: {  	_ =	shalt  }
0x68: {  	_ =	shalt  }
0x69: {  	_ =	shalt  }
0x6a: {  	_ =	shalt  }
0x6b: {  	_ =	shalt  }
0x6c: {  	_ =	shalt  }
0x6d: {  	_ =	shalt  }
0x6e: {  	_ =	shalt  }
0x6f: {  	_ =	shalt  }
0x70: {  	_ =	shalt  }
0x71: {  	_ =	shalt  }
0x72: {  	_ =	shalt  }
0x73: {  	_ =	shalt  }
0x74: {  	_ =	shalt  }
0x75: {  	_ =	shalt  }
0x76: {  	_ =	shalt  }
0x77: {  	_ =	shalt  }
0x78: {  	_ =	shalt  }
0x79: {  	_ =	shalt  }
0x7a: {  	_ =	shalt  }
0x7b: {  	_ =	shalt  }
0x7c: {  	_ =	shalt  }
0x7d: {  	_ =	shalt  }
0x7e: {  	_ =	shalt  }
0x7f: {  	_ =	shalt  }
0x80: {  	_ =	shalt  }
0x81: {  	_ =	shalt  }
0x82: {  	_ =	shalt  }
0x83: {  	_ =	shalt  }
0x84: {  	_ =	shalt  }
0x85: {  	_ =	shalt  }
0x86: {  	_ =	shalt  }
0x87: {  	_ =	shalt  }
.Lfunc_end0:
.L_simem_size_0:
called_computation.2_lowered:
.L_overlay_start_0:
0x88: {  	s2 =	sld [smem:$0x3FD9]  }
0x89: {  	s3 =	sld [smem:$0x3FFE];
	_ =	sdelay $0x1  }
0x8a: {  	s1 =	srdreg.scid  }
0x8b: {  	s0 =	sand.u32 $0x1, s1  }
0x8c: {  	s17 =	sshll.u32 s0, $0xA;
	s2 =	sadd.s32 s3, s2  }
0x8d: {  	s2 =	sadd.s32 s2, s17  }
0x8e: {  	[smem:$0x3FC6] =	sst s2  }
0x8f: {  	_ = 	snop  }
0x90: {  	s2 =	sld [smem:$0x3FD0];
	(tm) =	ssettm $0x1  }
0x91: {  	s18 =	sld [smem:$0x3FFB];
	_ =	sdelay $0x3  }
0x92: {  	_ =	strace s18  }
0x93: {  	s3 =	sld [smem:$0x3FFC];
	_ =	sdelay $0x3  }
0x94: {  	_ =	strace s3  }
0x95: {  	s3 =	sld [smem:$0x3FFD];
	_ =	sdelay $0x3  }
0x96: {  	_ =	strace s3  }
0x97: {  	_ =	strace $0x8FFFFFFF  }
0x98: {  	s19 =	sld [smem:$0x3FDB];
	_ =	sdelay $0x1  }
0x99: {  	s4 =	simm.s32 $_scs_section_size  }
0x9a: {  	s5 =	simm.s32 $_size__tile_overlayer_lowered;
	s6 =	simm.s32 $_tile_overlayer_lowered  }
0x9b: {  	s22 =	simm.s32 $0x1BFF;
	s21 =	sshll.u32 s6, $0x1;
	s3 =	sadd.s32 s4, s19  }
0x9c: {  	s7 =	simm.s32 $0x0;
	s20 =	sshll.u32 s5, $0x1;
	s5 =	sadd.s32 s21, s3  }
0x9d: {  	[timem:s7], [sflag:s22] =	dma.local [hbm:s5], s20  }
0x9e: {  	_ =	swait.ge [sflag:s22], s20  }
0x9f: {  	s4 =	ssub.s32 $0x0, s20;
	[sflag:s22] =	ssyncset.done $0x0  }
0xa0: {  	[sflag:s22] =	ssyncadd.s32 s4;
	_ =	sdelay $0x1  }
0xa1: {  	s23 =	simm.s32 $0x1B8B  }
0xa2: {  	_ =	swait.ge [sflag:s23], $0x1  }
0xa3: {  	[sflag:s23] =	ssyncset.done $0x0  }
0xa4: {  	s25 =	simm.s32 $0x1B8E;
	s24 =	sld [smem:$0x3FFE];
	[sflag:s23] =	ssyncadd.s32 $0xFFFFFFFF  }
0xa5: {  	s26 =	simm.s32 $execute0_lowered;
	[smem:$0x3FD2] =	sst s25  }
0xa6: {  	s5 =	sshll.u32 s26, $0x1;
	_ =	strace $0x80000049;
	[dreg:$0x1] =	wrdreg $0xFFFFFFFF  }
0xa7: {  	s28 =	simm.s32 $_size_execute0_lowered;
	s3 =	sadd.s32 s3, s5;
	[dreg:$0x0] =	wrdreg $0x0  }
0xa8: {  	s5 =	sshll.u32 s28, $0x1;
	[dreg:$0x2] =	wrdreg s3  }
0xa9: {  	[dreg:$0x3] =	wrdreg s5  }
0xaa: {  	[dreg:$0x4] =	wrdreg $0xC0  }
0xab: {  	_ =	task [dreg:s7], $0x5FFFF  }
0xac: {  	[dreg:$0x1] =	wrdreg $0xFFFFFFFF  }
0xad: {  	[dreg:$0x0] =	wrdreg $0x60  }
0xae: {  	[dreg:$0x2] =	wrdreg s2  }
0xaf: {  	[dreg:$0x3] =	wrdreg s24  }
0xb0: {  	[dreg:$0x4] =	wrdreg $0x9  }
0xb1: {  	_ =	task.clear_ibuf [dreg:s7], $0x5FFFF;
	_ =	strace $0x90000049  }
0xb2: {  	s29 =	simm.s32 $0x9;
	_ =	strace $0x8000004B  }
0xb3: {  	_ =	swait.ge [sflag:s29], $0x1  }
0xb4: {  	[sflag:s29] =	ssyncadd.s32 $0xFFFFFFFF  }
0xb5: {  	_ =	strace $0x9000004B  }
0xb6: {  	_ =	sfence  }
0xb7: {  	s30 =	sld [smem:$0x0];
	_ =	sdelay $0x2  }
0xb8: {  	s31 =	sshll.u32 s1, $0xD;
	s1 =	sshrl.u32 s1, $0x2  }
0xb9: {  	s3 =	sand.u32 $0x4000, s31;
	s1 =	sadd.s32 s1, s30  }
0xba: {  	s0 =	sor.u32 s3, s0;
	s1 =	sshll.u32 s1, $0x11  }
0xbb: {  	s0 =	sor.u32 s1, s0  }
0xbc: {  	s0 =	sadd.s32 $0x8F2B, s0  }
0xbd: {  	[sflag:s0] =	ssyncadd.remote.s32 $0x1  }
0xbe: {  	_ =	sfence.sel $0xFFFF  }
0xbf: {  	[dreg:$0x0] =	wrdreg $0xFFFFFFFF;
	(pc) =	sbr.abs _section_cstart, $3  }
0xc0: {  	[dreg:$0x1] =	wrdreg $0xFFFFFFFF  }
0xc1: {  	_ =	task.clear_ibuf [dreg:s7], $0x2FFFF;
	_ =	strace $0x9FFFFFFF  }
0xc2: {  	(tm) =	ssettm $0x7FFFFFFF  }
0xc3: {  	_ =	shalt  }
tec
execute0_lowered:
.L_overlay_start_1:
0x0: {  	(tag) =	ssettag $0x1  }
0x1: {  	s0 =	srdreg.scid  }
0x2: {  	s9 =	stileid.u32;
	s2 =	rddreg [dreg:$0x0]  }
0x3: {  	s5 =	rddreg [dreg:$0x1];
	s3 =	simm.s32 $0x0;
	s25 =	simm.s32 $0x2400  }
0x4: {  	s26 =	simm.s32 $0x100;
	s30 =	simm.s32 $0x4400;
	s31 =	simm.s32 $0x180  }
0x5: {  	s12 =	simm.s32 $0x80;
	s13 =	simm.s32 $0x400;
	s14 =	simm.s32 $0x6400  }
0x6: {  	s15 =	simm.s32 $0x3;
	s16 =	simm.s32 $0x40;
	s17 =	simm.s32 $0x2  }
0x7: {  	s18 =	simm.s32 $0x8400;
	s19 =	simm.s32 $0x280;
	s20 =	simm.s32 $0xA400  }
0x8: {  	s28 =	simm.s32 $0x6;
	s29 =	simm.s32 $0x0;
	s0 =	sand.u32 $0x1, s0  }
0x9: {  	s1 =	sshll.u32 s9, $0x1;
	[smem:$0x7FF] =	sst s3;
	s7 =	smul.u32 $0x640000, s9  }
0xa: {  	s4 =	sadd.s32 $0xF43200, s5;
	_ =	strace $0x8000004A;
	[dreg:$0x5] =	wrdreg s25  }
0xb: {  	s9 =	smul.u32 $0xC800, s9;
	s11 =	sadd.s32 $0xE00, s5;
	[dreg:$0x6] =	wrdreg s26  }
0xc: {  	s1 =	sor.u32 s0, s1;
	s8 =	smul.u32 $0x320000, s0;
	[dreg:$0x7] =	wrdreg s30  }
0xd: {  	s6 =	ssub.s32 $0x2, s0;
	s0 =	smul.u32 $0x6400, s0;
	[dreg:$0x8] =	wrdreg s31  }
0xe: {  	s25 =	simm.s32 $0x4;
	s1 =	smul.u32 $0x6400, s1;
	s10 =	sshrl.u32 s6, $0x1  }
0xf: {  	s26 =	simm.s32 $0x5;
	s10 =	ssub.s32 s6, s10;
	s21 =	sadd.s32 s8, s7  }
0x10: {  	s0 =	sadd.s32 s0, s9;
	s1 =	sshrl.u32 s1, $0x3;
	s6 =	smax.u32 s10, $0x1  }
0x11: {  	s22 =	sshll.u32 s0, $0x4;
	s9 =	sadd.s32 $0x600, s0;
	s10 =	simm.s32 $0x200  }
0x12: {  	s5 =	sadd.s32 s2, s1;
	[dreg:$0xa] =	wrdreg s6;
	s8 =	sadd.s32 s22, s11  }
0x13: {  	s24 =	sshrl.u32 s9, $0x3;
	s9 =	sadd.s32 $0x400, s0;
	s22 =	simm.s32 $0xC400  }
0x14: {  	s1 =	sadd.s32 $0x40, s5;
	s23 =	sadd.s32 $0x2000, s8;
	s8 =	sadd.s32 s24, s2  }
0x15: {  	s24 =	simm.s32 $0xE400;
	[dreg:$0x9] =	wrdreg s1;
	s1 =	sshrl.u32 s21, $0x3  }
0x16: {  	[dreg:$0x4] =	wrdreg s23;
	s21 =	simm.s32 $0x300;
	s1 =	sadd.s32 s1, s11  }
0x17: {  	s23 =	simm.s32 $0x380;
	s11 =	simm.s32 $0x1;
	[dreg:$0x3] =	wrdreg s1  }
.LBB2_1:
0x18: {  	[tilespmem:s3], [sflag:$0x1] =	stream.linear.gather [hbm4b:s5+s3], $0x200, $0x38;
	[tilespmem:$0x10400] =	vst v63  }
0x19: {  	s0 =	rddreg [dreg:$0x9]  }
0x1a: {  	s30 =	smov.u32 s9;
	s31 =	smov.u32 s8;
	s1 =	simm.s32 $0x0  }
0x1b: {  	[tilespmem:s10], [sflag:$0x2] =	stream.linear.gather [hbm4b:s0+s3], $0x200, $0x38;
	[tilespmem:$0x10400] =	vst v63  }
.LBB2_2:
0x1c: {  	p0 =	seq.s32 s1, $0x0  }
0x1d: {  	s0 =	simm.s32 @!p0 $0x5  }
0x1e: {  	_ =	swait.ge @!p0 [sflag:s0], $0x8000  }
0x1f: {  	[sflag:s0] =	ssyncset.done @!p0 $0x0  }
0x20: {  	[sflag:s0] =	ssyncadd.s32 @!p0 $0xFFFF8000  }
0x21: {  	_ =	swait.ge [sflag:s11], $0x200  }
0x22: {  	[sflag:s11] =	ssyncset.done $0x0  }
0x23: {  	[sflag:s11] =	ssyncadd.s32 $0xFFFFFE00  }
0x24: {  	v0 =	vld [tilespmem:$0x0]  }
0x25: {  	v1 =	vld [tilespmem:$0x10]  }
0x26: {  	v2 =	vld [tilespmem:$0x20]  }
0x27: {  	v3 =	vld [tilespmem:$0x30]  }
0x28: {  	v4 =	vld [tilespmem:$0x40]  }
0x29: {  	v5 =	vld [tilespmem:$0x50];
	v0 =	vshll.u32 v0, $0x1  }
0x2a: {  	v58 =	vld [tilespmem:$0x60];
	v57 =	vshll.u32 v1, $0x1;
	[tilespmem:$0x0] =	vst v0  }
0x2b: {  	v60 =	vld [tilespmem:$0x70];
	v59 =	vshll.u32 v2, $0x1;
	[tilespmem:$0x10] =	vst v57  }
0x2c: {  	v62 =	vld [tilespmem:$0x80];
	v61 =	vshll.u32 v3, $0x1;
	[tilespmem:$0x20] =	vst v59  }
0x2d: {  	v8 =	vld [tilespmem:$0x90];
	v63 =	vshll.u32 v4, $0x1;
	[tilespmem:$0x30] =	vst v61  }
0x2e: {  	v10 =	vld [tilespmem:$0xA0];
	v9 =	vshll.u32 v5, $0x1;
	[tilespmem:$0x40] =	vst v63  }
0x2f: {  	v12 =	vld [tilespmem:$0xB0];
	v11 =	vshll.u32 v58, $0x1;
	[tilespmem:$0x50] =	vst v9  }
0x30: {  	v14 =	vld [tilespmem:$0xC0];
	v13 =	vshll.u32 v60, $0x1;
	[tilespmem:$0x60] =	vst v11  }
0x31: {  	v16 =	vld [tilespmem:$0xD0];
	v15 =	vshll.u32 v62, $0x1;
	[tilespmem:$0x70] =	vst v13  }
0x32: {  	v18 =	vld [tilespmem:$0xE0];
	v17 =	vshll.u32 v8, $0x1;
	[tilespmem:$0x80] =	vst v15  }
0x33: {  	v20 =	vld [tilespmem:$0xF0];
	v19 =	vshll.u32 v10, $0x1;
	[tilespmem:$0x90] =	vst v17  }
0x34: {  	v22 =	vld [tilespmem:$0x100];
	v21 =	vshll.u32 v12, $0x1;
	[tilespmem:$0xA0] =	vst v19  }
0x35: {  	v24 =	vld [tilespmem:$0x110];
	v23 =	vshll.u32 v14, $0x1;
	[tilespmem:$0xB0] =	vst v21  }
0x36: {  	v26 =	vld [tilespmem:$0x120];
	v25 =	vshll.u32 v16, $0x1;
	[tilespmem:$0xC0] =	vst v23  }
0x37: {  	v28 =	vld [tilespmem:$0x130];
	v27 =	vshll.u32 v18, $0x1;
	[tilespmem:$0xD0] =	vst v25  }
0x38: {  	v30 =	vld [tilespmem:$0x140];
	v29 =	vshll.u32 v20, $0x1;
	[tilespmem:$0xE0] =	vst v27  }
0x39: {  	v32 =	vld [tilespmem:$0x150];
	v31 =	vshll.u32 v22, $0x1;
	[tilespmem:$0xF0] =	vst v29  }
0x3a: {  	v34 =	vld [tilespmem:$0x160];
	v33 =	vshll.u32 v24, $0x1;
	[tilespmem:$0x100] =	vst v31  }
0x3b: {  	v36 =	vld [tilespmem:$0x170];
	v35 =	vshll.u32 v26, $0x1;
	[tilespmem:$0x110] =	vst v33  }
0x3c: {  	v38 =	vld [tilespmem:$0x180];
	v37 =	vshll.u32 v28, $0x1;
	[tilespmem:$0x120] =	vst v35  }
0x3d: {  	v40 =	vld [tilespmem:$0x190];
	v39 =	vshll.u32 v30, $0x1;
	[tilespmem:$0x130] =	vst v37  }
0x3e: {  	v42 =	vld [tilespmem:$0x1A0];
	v41 =	vshll.u32 v32, $0x1;
	[tilespmem:$0x140] =	vst v39  }
0x3f: {  	v44 =	vld [tilespmem:$0x1B0];
	v43 =	vshll.u32 v34, $0x1;
	[tilespmem:$0x150] =	vst v41  }
0x40: {  	v46 =	vld [tilespmem:$0x1C0];
	v45 =	vshll.u32 v36, $0x1;
	[tilespmem:$0x160] =	vst v43  }
0x41: {  	v48 =	vld [tilespmem:$0x1D0];
	v47 =	vshll.u32 v38, $0x1;
	[tilespmem:$0x170] =	vst v45  }
0x42: {  	v50 =	vld [tilespmem:$0x1E0];
	v49 =	vshll.u32 v40, $0x1;
	[tilespmem:$0x180] =	vst v47  }
0x43: {  	v52 =	vld [tilespmem:$0x1F0];
	v51 =	vshll.u32 v42, $0x1;
	[tilespmem:$0x190] =	vst v49  }
0x44: {  	v53 =	vshll.u32 v44, $0x1;
	[tilespmem:$0x1A0] =	vst v51  }
0x45: {  	v54 =	vshll.u32 v46, $0x1;
	[tilespmem:$0x1B0] =	vst v53  }
0x46: {  	v55 =	vshll.u32 v48, $0x1;
	[tilespmem:$0x1C0] =	vst v54  }
0x47: {  	v56 =	vshll.u32 v50, $0x1;
	[tilespmem:$0x1D0] =	vst v55  }
0x48: {  	[tilespmem:$0x1E0] =	vst v56;
	v57 =	vshll.u32 v52, $0x1  }
0x49: {  	s0 =	rddreg [dreg:$0x5];
	[tilespmem:$0x1F0] =	vst v57  }
0x4a: {  	[tilespmem:s13], [sflag:$0x3] =	stream.indirect.gather [hbm4b:s4+s12], $0x40, s3, s12, $0xb8;
	[tilespmem:$0x10400] =	vst v63  }
0x4b: {  	s6 =	rddreg [dreg:$0x6]  }
0x4c: {  	[tilespmem:s0], [sflag:$0x3] =	stream.indirect.gather [hbm4b:s4+s12], $0x40, s12, s12, $0xb8;
	[tilespmem:$0x10400] =	vst v63  }
0x4d: {  	s7 =	rddreg [dreg:$0x7]  }
0x4e: {  	[tilespmem:s7], [sflag:$0x3] =	stream.indirect.gather [hbm4b:s4+s12], $0x40, s6, s12, $0xb8;
	[tilespmem:$0x10400] =	vst v63  }
0x4f: {  	p1 =	seq.s32 s1, $0x60000;
	s0 =	rddreg [dreg:$0x8]  }
0x50: {  	[tilespmem:s14], [sflag:$0x3] =	stream.indirect.gather [hbm4b:s4+s12], $0x40, s0, s12, $0xb8;
	[tilespmem:$0x10400] =	vst v63  }
0x51: {  	s0 =	sshrl.u32 @!p1 s30, $0x3;
	_ =	swait.ge [sflag:s15], $0x8000  }
0x52: {  	s7 =	sadd.s32 @!p1 s2, s0;
	[sflag:s15] =	ssyncset.done $0x0  }
0x53: {  	s0 =	simm.s32 @!p1 $0x0;
	s6 =	rddreg [dreg:$0x3];
	[sflag:s15] =	ssyncadd.s32 $0xFFFF8000  }
0x54: {  	[tilespmem:s0], [sflag:$0x1] =	stream.linear.gather @!p1 [hbm4b:s7+s0], $0x200, $0x38;
	[tilespmem:$0x10400] =	vst v63  }
0x55: {  	s6 =	sadd.s32 s1, s6  }
0x56: {  	[hbm4b:s6+s16] =	stream.strided.scatter [tilespmem:s13], [sflag:$0x5], $0x8000, s12, s16, $0x38;
	[tilespmem:$0x10400] =	vst v63  }
0x57: {  	s6 =	simm.s32 @!p0 $0x6  }
0x58: {  	_ =	swait.ge @!p0 [sflag:s6], $0x8000  }
0x59: {  	[sflag:s6] =	ssyncset.done @!p0 $0x0  }
0x5a: {  	[sflag:s6] =	ssyncadd.s32 @!p0 $0xFFFF8000  }
0x5b: {  	_ =	swait.ge [sflag:s17], $0x200  }
0x5c: {  	[sflag:s17] =	ssyncset.done $0x0  }
0x5d: {  	[sflag:s17] =	ssyncadd.s32 $0xFFFFFE00  }
0x5e: {  	v58 =	vld [tilespmem:$0x200]  }
0x5f: {  	v59 =	vld [tilespmem:$0x210]  }
0x60: {  	v60 =	vld [tilespmem:$0x220]  }
0x61: {  	v61 =	vld [tilespmem:$0x230]  }
0x62: {  	v62 =	vld [tilespmem:$0x240]  }
0x63: {  	v63 =	vld [tilespmem:$0x250];
	v0 =	vshll.u32 v58, $0x1  }
0x64: {  	v8 =	vld [tilespmem:$0x260];
	v7 =	vshll.u32 v59, $0x1;
	[tilespmem:$0x200] =	vst v0  }
0x65: {  	v10 =	vld [tilespmem:$0x270];
	v9 =	vshll.u32 v60, $0x1;
	[tilespmem:$0x210] =	vst v7  }
0x66: {  	v12 =	vld [tilespmem:$0x280];
	v11 =	vshll.u32 v61, $0x1;
	[tilespmem:$0x220] =	vst v9  }
0x67: {  	v14 =	vld [tilespmem:$0x290];
	v13 =	vshll.u32 v62, $0x1;
	[tilespmem:$0x230] =	vst v11  }
0x68: {  	v16 =	vld [tilespmem:$0x2A0];
	v15 =	vshll.u32 v63, $0x1;
	[tilespmem:$0x240] =	vst v13  }
0x69: {  	v18 =	vld [tilespmem:$0x2B0];
	v17 =	vshll.u32 v8, $0x1;
	[tilespmem:$0x250] =	vst v15  }
0x6a: {  	v20 =	vld [tilespmem:$0x2C0];
	v19 =	vshll.u32 v10, $0x1;
	[tilespmem:$0x260] =	vst v17  }
0x6b: {  	v22 =	vld [tilespmem:$0x2D0];
	v21 =	vshll.u32 v12, $0x1;
	[tilespmem:$0x270] =	vst v19  }
0x6c: {  	v24 =	vld [tilespmem:$0x2E0];
	v23 =	vshll.u32 v14, $0x1;
	[tilespmem:$0x280] =	vst v21  }
0x6d: {  	v26 =	vld [tilespmem:$0x2F0];
	v25 =	vshll.u32 v16, $0x1;
	[tilespmem:$0x290] =	vst v23  }
0x6e: {  	v28 =	vld [tilespmem:$0x300];
	v27 =	vshll.u32 v18, $0x1;
	[tilespmem:$0x2A0] =	vst v25  }
0x6f: {  	v30 =	vld [tilespmem:$0x310];
	v29 =	vshll.u32 v20, $0x1;
	[tilespmem:$0x2B0] =	vst v27  }
0x70: {  	v32 =	vld [tilespmem:$0x320];
	v31 =	vshll.u32 v22, $0x1;
	[tilespmem:$0x2C0] =	vst v29  }
0x71: {  	v34 =	vld [tilespmem:$0x330];
	v33 =	vshll.u32 v24, $0x1;
	[tilespmem:$0x2D0] =	vst v31  }
0x72: {  	v36 =	vld [tilespmem:$0x340];
	v35 =	vshll.u32 v26, $0x1;
	[tilespmem:$0x2E0] =	vst v33  }
0x73: {  	v38 =	vld [tilespmem:$0x350];
	v37 =	vshll.u32 v28, $0x1;
	[tilespmem:$0x2F0] =	vst v35  }
0x74: {  	v40 =	vld [tilespmem:$0x360];
	v39 =	vshll.u32 v30, $0x1;
	[tilespmem:$0x300] =	vst v37  }
0x75: {  	v42 =	vld [tilespmem:$0x370];
	v41 =	vshll.u32 v32, $0x1;
	[tilespmem:$0x310] =	vst v39  }
0x76: {  	v44 =	vld [tilespmem:$0x380];
	v43 =	vshll.u32 v34, $0x1;
	[tilespmem:$0x320] =	vst v41  }
0x77: {  	v46 =	vld [tilespmem:$0x390];
	v45 =	vshll.u32 v36, $0x1;
	[tilespmem:$0x330] =	vst v43  }
0x78: {  	v48 =	vld [tilespmem:$0x3A0];
	v47 =	vshll.u32 v38, $0x1;
	[tilespmem:$0x340] =	vst v45  }
0x79: {  	v50 =	vld [tilespmem:$0x3B0];
	v49 =	vshll.u32 v40, $0x1;
	[tilespmem:$0x350] =	vst v47  }
0x7a: {  	v52 =	vld [tilespmem:$0x3C0];
	v51 =	vshll.u32 v42, $0x1;
	[tilespmem:$0x360] =	vst v49  }
0x7b: {  	v54 =	vld [tilespmem:$0x3D0];
	v53 =	vshll.u32 v44, $0x1;
	[tilespmem:$0x370] =	vst v51  }
0x7c: {  	v56 =	vld [tilespmem:$0x3E0];
	v55 =	vshll.u32 v46, $0x1;
	[tilespmem:$0x380] =	vst v53  }
0x7d: {  	v57 =	vshll.u32 v48, $0x1;
	v58 =	vld [tilespmem:$0x3F0];
	[tilespmem:$0x390] =	vst v55  }
0x7e: {  	v59 =	vshll.u32 v50, $0x1;
	[tilespmem:$0x3A0] =	vst v57  }
0x7f: {  	v60 =	vshll.u32 v52, $0x1;
	[tilespmem:$0x3B0] =	vst v59  }
0x80: {  	v61 =	vshll.u32 v54, $0x1;
	[tilespmem:$0x3C0] =	vst v60  }
0x81: {  	v62 =	vshll.u32 v56, $0x1;
	[tilespmem:$0x3D0] =	vst v61  }
0x82: {  	[tilespmem:$0x3E0] =	vst v62;
	v63 =	vshll.u32 v58, $0x1  }
0x83: {  	[tilespmem:$0x3F0] =	vst v63  }
0x84: {  	[tilespmem:s18], [sflag:$0x4] =	stream.indirect.gather [hbm4b:s4+s12], $0x40, s10, s12, $0xb8;
	[tilespmem:$0x10400] =	vst v63  }
0x85: {  	_ = 	snop  }
0x86: {  	[tilespmem:s20], [sflag:$0x4] =	stream.indirect.gather [hbm4b:s4+s12], $0x40, s19, s12, $0xb8;
	[tilespmem:$0x10400] =	vst v63  }
0x87: {  	_ = 	snop  }
0x88: {  	[tilespmem:s22], [sflag:$0x4] =	stream.indirect.gather [hbm4b:s4+s12], $0x40, s21, s12, $0xb8;
	[tilespmem:$0x10400] =	vst v63  }
0x89: {  	_ = 	snop  }
0x8a: {  	[tilespmem:s24], [sflag:$0x4] =	stream.indirect.gather [hbm4b:s4+s12], $0x40, s23, s12, $0xb8;
	[tilespmem:$0x10400] =	vst v63  }
0x8b: {  	_ =	swait.ge [sflag:s25], $0x8000  }
0x8c: {  	[sflag:s25] =	ssyncset.done $0x0  }
0x8d: {  	s7 =	simm.s32 @!p1 $0x200;
	s6 =	rddreg [dreg:$0x4];
	[sflag:s25] =	ssyncadd.s32 $0xFFFF8000  }
0x8e: {  	[tilespmem:s7], [sflag:$0x2] =	stream.linear.gather @!p1 [hbm4b:s31+s0], $0x200, $0x38;
	[tilespmem:$0x10400] =	vst v63  }
0x8f: {  	s7 =	sadd.s32 s1, s6;
	s1 =	sadd.s32 $0x4000, s1  }
0x90: {  	p0 =	sne.s32 s1, $0x64000  }
.Ltmp0:
0x91: {  	_ = 	snop;
	(pc) =	sbr.rel @p0 .LBB2_2-.Ltmp0, $3  }
0x92: {  	_ =	sdelay $0x1  }
0x93: {  	s30 =	sadd.s32 $0x400, s30;
	s31 =	sadd.s32 $0x80, s31  }
0x94: {  	[hbm4b:s7+s16] =	stream.strided.scatter [tilespmem:s18], [sflag:$0x6], $0x8000, s12, s16, $0x38;
	[tilespmem:$0x10400] =	vst v63  }
0x95: {  	_ =	swait.ge [sflag:s26], $0x8000  }
0x96: {  	[sflag:s26] =	ssyncset.done $0x0  }
0x97: {  	[sflag:s26] =	ssyncadd.s32 $0xFFFF8000  }
0x98: {  	_ =	swait.ge [sflag:s28], $0x8000  }
0x99: {  	s29 =	sadd.s32 $0x1, s29;
	s0 =	rddreg [dreg:$0xa]  }
0x9a: {  	p0 =	sne.s32 s29, s0  }
.Ltmp1:
0x9b: {  	_ = 	snop;
	(pc) =	sbr.rel @p0 .LBB2_1-.Ltmp1, $3  }
0x9c: {  	_ =	sdelay $0x1  }
0x9d: {  	[sflag:s28] =	ssyncset.done $0x0  }
0x9e: {  	[sflag:s28] =	ssyncadd.s32 $0xFFFF8000  }
0x9f: {  	_ =	sfence.sel $0x180000  }
0xa0: {  	[bflag:$0x0] =	sbarrier.arrive $0xFFFF  }
0xa1: {  	_ =	strace $0x9000004A  }
0xa2: {  	s0 =	stileid.u32;
	[bflag:$0x2] =	sbarrier.arrive $0xFFFF  }
0xa3: {  	p0 =	sne.s32 s0, $0x0;
	s0 =	rddreg [dreg:$0x2]  }
0xa4: {  	s0 =	sadd.s32 @!p0 $0x100000, s0  }
0xa5: {  	[sflag:s0] =	ssyncadd.tile.s32 @!p0 $0x1;
	_ =	shalt  }
.Lfunc_end2:
_tile_overlayer_lowered:
.L_overlay_start_2:
0xa6: {  	(tag) =	ssettag $0x2  }
0xa7: {  	s0 =	rddreg [dreg:$0x0];
	s2 =	stileid.u32  }
0xa8: {  	s1 =	rddreg [dreg:$0x1];
	p0 =	sne.s32 s2, $0x0  }
0xa9: {  	s3 =	rddreg [dreg:$0x2];
	[bflag:$0x3] =	sbarrier.arrive $0xFFFF;
	s2 =	simm.s32 @!p0 $0x1C07  }
0xaa: {  	[timem:s3], [sflag:s2] =	dma.local @!p0 [hbm:s0], s1  }
0xab: {  	s0 =	simm.s32 @!p0 $0x7  }
0xac: {  	_ =	swait.ge @!p0 [sflag:s0], s1  }
0xad: {  	s1 =	ssub.s32 @!p0 $0x0, s1;
	[sflag:s0] =	ssyncset.done @!p0 $0x0  }
0xae: {  	[sflag:s0] =	ssyncadd.s32 @!p0 s1  }
0xaf: {  	[bflag:$0x3] =	sbarrier.arrive $0xFFFF  }
0xb0: {  	_ =	shalt  }

// kernel: sparse-core-data-format-call.1.cloned.1.call-start
scs
called_computation.1_lowered:
.L_overlay_start_0:
0x0: {  	s2 =	sld [smem:$0x3FD9]  }
0x1: {  	s3 =	sld [smem:$0x3FFE];
	_ =	sdelay $0x1  }
0x2: {  	s1 =	srdreg.scid  }
0x3: {  	s0 =	sand.u32 $0x1, s1  }
0x4: {  	s18 =	sshll.u32 s0, $0xA;
	s2 =	sadd.s32 s3, s2  }
0x5: {  	s2 =	sadd.s32 s2, s18  }
0x6: {  	[smem:$0x3FC6] =	sst s2  }
0x7: {  	_ = 	snop  }
0x8: {  	s2 =	sld [smem:$0x3FC8];
	(tm) =	ssettm $0x1  }
0x9: {  	s19 =	sld [smem:$0x3FFB];
	_ =	sdelay $0x3  }
0xa: {  	_ =	strace s19  }
0xb: {  	s3 =	sld [smem:$0x3FFC];
	_ =	sdelay $0x3  }
0xc: {  	_ =	strace s3  }
0xd: {  	s3 =	sld [smem:$0x3FFD];
	_ =	sdelay $0x3  }
0xe: {  	_ =	strace s3  }
0xf: {  	_ =	strace $0x8FFFFFFF  }
0x10: {  	s20 =	sld [smem:$0x3FDB];
	_ =	sdelay $0x1  }
0x11: {  	s4 =	simm.s32 $_scs_section_size  }
0x12: {  	s5 =	simm.s32 $_size__tile_overlayer_lowered;
	s6 =	simm.s32 $_tile_overlayer_lowered  }
0x13: {  	s23 =	simm.s32 $0x1BFF;
	s22 =	sshll.u32 s6, $0x1;
	s3 =	sadd.s32 s4, s20  }
0x14: {  	s7 =	simm.s32 $0x0;
	s21 =	sshll.u32 s5, $0x1;
	s5 =	sadd.s32 s22, s3  }
0x15: {  	[timem:s7], [sflag:s23] =	dma.local [hbm:s5], s21  }
0x16: {  	_ =	swait.ge [sflag:s23], s21  }
0x17: {  	s4 =	ssub.s32 $0x0, s21;
	[sflag:s23] =	ssyncset.done $0x0  }
0x18: {  	[sflag:s23] =	ssyncadd.s32 s4;
	_ =	sdelay $0x1  }
0x19: {  	s24 =	simm.s32 $0x1B8B  }
0x1a: {  	_ =	swait.ge [sflag:s24], $0x1  }
0x1b: {  	[sflag:s24] =	ssyncset.done $0x0  }
0x1c: {  	s26 =	simm.s32 $0x1B8E;
	s25 =	sld [smem:$0x3FFE];
	[sflag:s24] =	ssyncadd.s32 $0xFFFFFFFF  }
0x1d: {  	s27 =	simm.s32 $execute0_lowered;
	[smem:$0x3FD2] =	sst s26  }
0x1e: {  	s5 =	sshll.u32 s27, $0x1;
	_ =	strace $0x80000046;
	[dreg:$0x1] =	wrdreg $0xFFFFFFFF  }
0x1f: {  	s28 =	simm.s32 $_size_execute0_lowered;
	s3 =	sadd.s32 s3, s5;
	[dreg:$0x0] =	wrdreg $0x0  }
0x20: {  	s5 =	sshll.u32 s28, $0x1;
	[dreg:$0x2] =	wrdreg s3  }
0x21: {  	[dreg:$0x3] =	wrdreg s5  }
0x22: {  	[dreg:$0x4] =	wrdreg $0xC0  }
0x23: {  	_ =	task [dreg:s7], $0x5FFFF  }
0x24: {  	[dreg:$0x1] =	wrdreg $0xFFFFFFFF  }
0x25: {  	[dreg:$0x0] =	wrdreg $0x60  }
0x26: {  	[dreg:$0x2] =	wrdreg s2  }
0x27: {  	[dreg:$0x3] =	wrdreg s25  }
0x28: {  	[dreg:$0x4] =	wrdreg $0x9  }
0x29: {  	_ =	task.clear_ibuf [dreg:s7], $0x5FFFF;
	_ =	strace $0x90000046  }
0x2a: {  	s29 =	simm.s32 $0x9;
	_ =	strace $0x80000048  }
0x2b: {  	_ =	swait.ge [sflag:s29], $0x1  }
0x2c: {  	[sflag:s29] =	ssyncadd.s32 $0xFFFFFFFF  }
0x2d: {  	_ =	strace $0x90000048  }
0x2e: {  	_ =	sfence  }
0x2f: {  	s30 =	sld [smem:$0x0];
	_ =	sdelay $0x2  }
0x30: {  	s31 =	sshll.u32 s1, $0xD;
	s1 =	sshrl.u32 s1, $0x2  }
0x31: {  	s3 =	sand.u32 $0x4000, s31;
	s1 =	sadd.s32 s1, s30  }
0x32: {  	s0 =	sor.u32 s3, s0;
	s1 =	sshll.u32 s1, $0x11  }
0x33: {  	s0 =	sor.u32 s1, s0  }
0x34: {  	s0 =	sadd.s32 $0x8F2B, s0  }
0x35: {  	[sflag:s0] =	ssyncadd.remote.s32 $0x1  }
0x36: {  	_ =	sfence.sel $0xFFFF  }
0x37: {  	[dreg:$0x0] =	wrdreg $0xFFFFFFFF;
	(pc) =	sbr.abs _section_cstart, $3  }
0x38: {  	[dreg:$0x1] =	wrdreg $0xFFFFFFFF  }
0x39: {  	_ =	task.clear_ibuf [dreg:s7], $0x2FFFF;
	_ =	strace $0x9FFFFFFF  }
0x3a: {  	(tm) =	ssettm $0x7FFFFFFF  }
0x3b: {  	_ =	shalt  }
tec
execute0_lowered:
.L_overlay_start_1:
0x0: {  	(tag) =	ssettag $0x1  }
0x1: {  	s0 =	srdreg.scid;
	s2 =	rddreg [dreg:$0x0]  }
0x2: {  	s5 =	rddreg [dreg:$0x1];
	s1 =	stileid.u32  }
0x3: {  	s4 =	simm.s32 $0x1;
	s6 =	simm.s32 $0x2;
	s15 =	simm.s32 $0x0  }
0x4: {  	p0 =	por $0x0, $0x0;
	s8 =	simm.s32 $0x80;
	s0 =	sshll.u32 s0, $0x4  }
0x5: {  	s14 =	simm.s32 $0x0;
	s9 =	simm.s32 $0x0;
	s3 =	sand.u32 $0x10, s0  }
.Ltmp0:
0x6: {  	s10 =	simm.s32 $0x0;
	s3 =	sor.u32 s1, s3;
	(pc) =	sbr.rel .LBB1_1-.Ltmp0, $4  }
0x7: {  	s0 =	rddreg [dreg:$0x2];
	_ =	strace $0x80000047;
	s3 =	sshll.u32 s3, $0x7  }
0x8: {  	s12 =	simm.s32 $0x0;
	[sflag:s4] =	ssyncpa.u1 $0x0;
	s7 =	ssub.s32 $0xF4200, s3  }
0x9: {  	s13 =	simm.s32 $0x0;
	[sflag:s6] =	ssyncpa.u1 $0x0;
	s6 =	sshrl.u32 s7, $0xC  }
0xa: {  	s5 =	sadd.s32 $0xE00, s5;
	s11 =	smov.u32 s3;
	s7 =	sadd.s32 $0x2, s6  }
.LBB1_5:
0xb: {  	p1 =	slt.u32 s13, $0x2  }
0xc: {  	s17 =	smov.u32 s15;
	p2 =	sgt.s32 @!p1 s15, $0xF41C0;
	s16 =	sshra.s32 @!p1 s15, $0x1F  }
0xd: {  	p3 =	sgt.s32 @!p1 s14, $0x40;
	s18 =	sshra.s32 @!p1 s14, $0x1F;
	p2 =	por !p2, p1  }
0xe: {  	s15 =	sand.u32 @!p1 s16, s15;
	p3 =	por !p3, p1;
	s16 =	smov.u32 s14  }
0xf: {  	s14 =	sand.u32 @!p1 s18, s14;
	s17 =	simm.s32 @p2 $0xF41C0;
	s16 =	simm.s32 @p3 $0x40  }
0x10: {  	s15 =	ssub.s32 @!p1 s17, s15;
	s14 =	ssub.s32 @!p1 s16, s14  }
0x11: {  	s18 =	smov.u32 s12;
	s16 =	sadd.s32 @!p1 $0xFFF0BE40, s15;
	s17 =	sadd.s32 @!p1 $0xFFFFFFC0, s14  }
0x12: {  	s15 =	ssub.s32 @!p1 $0xF4240, s15;
	p2 =	sgt.s32 @!p1 s16, $0x7F;
	p3 =	sgt.s32 @!p1 s17, $0x3F  }
0x13: {  	s14 =	ssub.s32 @!p1 $0x80, s14;
	p2 =	por !p2, p1;
	p3 =	por !p3, p1  }
0x14: {  	s16 =	sadd.s32 $0x1000, s11;
	s15 =	simm.s32 @!p2 $0x0;
	s14 =	simm.s32 @!p3 $0x0  }
0x15: {  	p2 =	sgt.s32 s16, $0xF423F;
	s14 =	smul.u32 @!p1 s14, s15;
	s15 =	sadd.s32 $0x40, s12  }
0x16: {  	s18 =	smov.u32 @p2 s15  }
0x17: {  	s16 =	smov.u32 @p2 s3;
	p2 =	sgt.s32 s18, $0x3F  }
0x18: {  	s18 =	simm.s32 @p2 $0x0;
	p2 =	sne.s32 s13, s7  }
.Ltmp1:
0x19: {  	p0 =	por !p0, !p0;
	s17 =	simm.s32 @!p1 $0x2;
	(pc) =	sbr.rel @!p2 .LBB1_6-.Ltmp1, $4  }
0x1a: {  	s15 =	smov.u32 s9;
	s9 =	smov.u32 s11;
	s14 =	sand.u32 @!p1 $0x3FFFFFFF, s14  }
0x1b: {  	s11 =	smov.u32 s16;
	_ =	swait.ge @!p1 [sflag:s17], s14;
	s19 =	ssub.s32 @!p1 $0x0, s14  }
0x1c: {  	s14 =	smov.u32 s10;
	s13 =	sadd.s32 $0x1, s13;
	[sflag:s17] =	ssyncset.done @!p1 $0x0  }
0x1d: {  	s10 =	smov.u32 s12;
	s12 =	smov.u32 s18;
	[sflag:s17] =	ssyncadd.s32 @!p1 s19  }
.LBB1_1:
0x1e: {  	p1 =	sgt.u32 s13, s6  }
0x1f: {  	s16 =	sshrl.u32 @!p1 s12, $0x3  }
0x20: {  	s17 =	sshll.u32 @!p1 s11, $0x3;
	s16 =	smul.u32 @!p1 $0x7A1400, s16  }
0x21: {  	s18 =	sshll.u32 @!p1 s12, $0x7;
	s17 =	sand.u32 @!p1 $0xFFFFFC00, s17  }
0x22: {  	s16 =	sadd.s32 @!p1 s16, s17;
	s17 =	sand.u32 @!p1 $0x380, s18  }
0x23: {  	s18 =	sand.u32 @!p1 $0x7F, s11;
	s16 =	sor.u32 @!p1 s17, s16  }
0x24: {  	s17 =	sor.u32 @!p1 s18, s16  }
0x25: {  	s18 =	smulhi.u32 @!p1 $0x218D6287, s17;
	_ =	sdelay $0x1  }
0x26: {  	s16 =	smulhi.u32 @!p1 $0x218D6287, s16;
	s18 =	sshrl.u32 @!p1 s18, $0x11  }
0x27: {  	s18 =	smul.u32 @!p1 $0xF4280, s18  }
0x28: {  	s19 =	sxor.u32 @!p1 $0xFFFFFFFF, s13;
	s16 =	sshrl.u32 @!p1 s16, $0x11  }
0x29: {  	s19 =	sshll.u32 @!p1 s19, $0xD;
	s16 =	sand.u32 @!p1 $0x3F, s16;
	s17 =	ssub.s32 @!p1 s17, s18  }
0x2a: {  	s16 =	smul.u32 @!p1 $0x1E850, s16;
	s18 =	sshrl.u32 @!p1 s17, $0x3;
	s17 =	sand.u32 @!p1 $0x7, s17  }
0x2b: {  	s19 =	sand.u32 @!p1 $0x2000, s19;
	s18 =	sadd.s32 @!p1 s2, s18;
	s17 =	sshll.u32 @!p1 s17, $0x12  }
0x2c: {  	s16 =	sadd.s32 @!p1 s16, s18;
	s17 =	sor.u32 @!p1 $0x400, s17;
	s18 =	simm.s32 @!p1 $0x7A1400  }
0x2d: {  	[tilespmem:s19], [sflag:$0x1] =	stream.strided.gather @!p1 [hbm4b:s16+s17], $0x2000, s18, s17, $0x38;
	[tilespmem:$0x8100] =	vst v63  }
0x2e: {  	p1 =	seq.s32 s13, $0x0  }
0x2f: {  	p2 =	sge.u32 @!p1 s13, s7  }
0x30: {  	p1 =	por p1, p2  }
.Ltmp2:
0x31: {  	_ = 	snop;
	(pc) =	sbr.rel @p1 .LBB1_5-.Ltmp2, $1  }
0x32: {  	_ =	sdelay $0x3  }
0x33: {  	s16 =	simm.s32 $0x1  }
0x34: {  	_ =	swait.ge [sflag:s4], $0x2000;
	s16 =	simm.s32 @!p0 $0x0  }
0x35: {  	[sflag:s4] =	ssyncset.done $0x0;
	s17 =	sshll.u32 s16, $0xD  }
0x36: {  	[sflag:s4] =	ssyncadd.s32 $0xFFFFE000;
	s17 =	sor.u32 $0x40, s17  }
0x37: {  	s16 =	smul.u32 $0x8200, s16;
	v0 =	vld [tilespmem:s17+$0x30]  }
0x38: {  	v1 =	vld [tilespmem:s17+$0xFFFFFFD0]  }
0x39: {  	s16 =	sshrl.u32 s16, $0x2;
	v5 =	vld [tilespmem:s17+$0xFFFFFFE0]  }
0x3a: {  	v6 =	vld [tilespmem:s17+$0xFFFFFFF0];
	s19 =	sor.u32 $0x4000, s16  }
0x3b: {  	s31 =	sand.u32 $0x1, s13;
	v4 =	vld [tilespmem:s17+$0x0];
	s18 =	sadd.s32 $0x0, s19  }
0x3c: {  	v3 =	vld [tilespmem:s17+$0x10];
	s16 =	smul.u32 $0x8200, s31;
	[tilespmem:s18+$0x1C70 ss:$0x41] =	vst.msk $0xffff, v0  }
0x3d: {  	v2 =	vld [tilespmem:s17+$0x20];
	[tilespmem:s18+$0x410 ss:$0x41] =	vst.msk $0xffff, v1  }
0x3e: {  	s16 =	sshrl.u32 s16, $0x2;
	v1 =	vld [tilespmem:s17+$0xFFFFFFC0];
	[tilespmem:s18+$0x820 ss:$0x41] =	vst.msk $0xffff, v5;
	s17 =	sadd.s32 $0x80, s17  }
0x3f: {  	s20 =	simm.s32 $0x4;
	s21 =	simm.s32 $0x8;
	s16 =	sor.u32 $0x4000, s16;
	[tilespmem:s18+$0xC30 ss:$0x41] =	vst.msk $0xffff, v6;
	v0 =	vld [tilespmem:s17+$0x30]  }
.LBB1_3:
0x40: {  	p1 =	sne.s32 s21, $0xFC;
	v5 =	vld [tilespmem:s17+$0xFFFFFFD0];
	[tilespmem:s18+$0x1040 ss:$0x41] =	vst.msk $0xffff, v4  }
0x41: {  	v6 =	vld [tilespmem:s17+$0xFFFFFFE0];
	[tilespmem:s18+$0x1450 ss:$0x41] =	vst.msk $0xffff, v3  }
0x42: {  	s22 =	sshra.s32 s20, $0x2;
	s20 =	smov.u32 s21;
	v7 =	vld [tilespmem:s17+$0xFFFFFFF0];
	[tilespmem:s18+$0x1860 ss:$0x41] =	vst.msk $0xffff, v2  }
.Ltmp3:
0x43: {  	v4 =	vld [tilespmem:s17+$0x0];
	[tilespmem:s18+$0x0 ss:$0x41] =	vst.msk $0xffff, v1;
	s18 =	sadd.s32 s22, s19;
	(pc) =	sbr.rel @p1 .LBB1_3-.Ltmp3, $4  }
0x44: {  	v3 =	vld [tilespmem:s17+$0x10];
	[tilespmem:s18+$0x1C70 ss:$0x41] =	vst.msk $0xffff, v0  }
0x45: {  	[tilespmem:s18+$0x410 ss:$0x41] =	vst.msk $0xffff, v5;
	v2 =	vld [tilespmem:s17+$0x20]  }
0x46: {  	v1 =	vld [tilespmem:s17+$0xFFFFFFC0];
	[tilespmem:s18+$0x820 ss:$0x41] =	vst.msk $0xffff, v6;
	s17 =	sadd.s32 $0x80, s17  }
0x47: {  	s21 =	sadd.s32 $0x4, s21;
	v0 =	vld [tilespmem:s17+$0x30];
	[tilespmem:s18+$0xC30 ss:$0x41] =	vst.msk $0xffff, v7  }
0x48: {  	s21 =	sshll.u32 s9, $0x7;
	s22 =	sshll.u32 s10, $0x3;
	s20 =	sshra.s32 s20, $0x2  }
0x49: {  	p1 =	sgt.s32 s9, $0xF41C0;
	s30 =	sshra.s32 s9, $0x1F;
	s25 =	sshra.s32 s10, $0x1F  }
0x4a: {  	v5 =	vld [tilespmem:s17+$0xFFFFFFD0];
	s28 =	sshrl.u32 s10, $0x3;
	s23 =	sand.u32 $0xFFFFFC00, s21;
	s22 =	sand.u32 $0xFFFFFC00, s22  }
0x4b: {  	[tilespmem:s18+$0x1040 ss:$0x41] =	vst.msk $0xffff, v4;
	v58 =	vld [tilespmem:s17+$0xFFFFFFE0];
	s21 =	sand.u32 $0x380, s21;
	s19 =	sadd.s32 s20, s19;
	s22 =	sadd.s32 s22, s23  }
0x4c: {  	v59 =	vld [tilespmem:s17+$0xFFFFFFF0];
	[tilespmem:s18+$0x1450 ss:$0x41] =	vst.msk $0xffff, v3;
	s29 =	sor.u32 s21, s22;
	s21 =	smov.u32 s9;
	s22 =	sand.u32 s30, s9  }
0x4d: {  	v60 =	vld [tilespmem:s17+$0x0];
	[tilespmem:s18+$0x1860 ss:$0x41] =	vst.msk $0xffff, v2;
	s30 =	sand.u32 $0x7, s10;
	s20 =	sshrl.u32 s29, $0x7;
	s21 =	simm.s32 @!p1 $0xF41C0  }
0x4e: {  	v61 =	vld [tilespmem:s17+$0x10];
	[tilespmem:s18+$0x0 ss:$0x41] =	vst.msk $0xffff, v1;
	p1 =	sgt.s32 s10, $0x40;
	s24 =	ssub.s32 s21, s22;
	s21 =	smov.u32 s10  }
0x4f: {  	v62 =	vld [tilespmem:s17+$0x20];
	[tilespmem:s19+$0x1C70 ss:$0x41] =	vst.msk $0xffff, v0;
	s31 =	smulhi.u32 $0x218DEF5, s20;
	s22 =	sand.u32 s25, s10;
	s21 =	simm.s32 @!p1 $0x40  }
0x50: {  	v63 =	vld [tilespmem:s17+$0xFFFFFFC0];
	[tilespmem:s19+$0x410 ss:$0x41] =	vst.msk $0xffff, v5;
	s26 =	sadd.s32 $0xFFF0BE40, s24;
	s17 =	ssub.s32 $0xF4240, s24;
	s21 =	ssub.s32 s21, s22  }
0x51: {  	[tilespmem:s19+$0x820 ss:$0x41] =	vst.msk $0xffff, v58;
	s23 =	sshrl.u32 s31, $0xD;
	p1 =	sgt.s32 s26, $0x7F;
	s27 =	sadd.s32 $0xFFFFFFC0, s21  }
0x52: {  	[tilespmem:s19+$0xC30 ss:$0x41] =	vst.msk $0xffff, v59;
	s23 =	smul.u32 $0xF4240, s23;
	s18 =	ssub.s32 $0x80, s21;
	p2 =	sgt.s32 s27, $0x3F  }
.Ltmp4:
0x53: {  	[tilespmem:s19+$0x1040 ss:$0x41] =	vst.msk $0xffff, v60;
	s17 =	simm.s32 @p1 $0x0;
	s18 =	simm.s32 @p2 $0x0;
	(pc) =	sbr.rel .LBB1_5-.Ltmp4, $4  }
0x54: {  	s29 =	sand.u32 $0xF, s28;
	[tilespmem:s19+$0x1450 ss:$0x41] =	vst.msk $0xffff, v61;
	s20 =	ssub.s32 s20, s23;
	s17 =	smul.u32 s18, s17  }
0x55: {  	[tilespmem:s19+$0x1860 ss:$0x41] =	vst.msk $0xffff, v62;
	s21 =	sshll.u32 s30, $0x12;
	s20 =	sshll.u32 s20, $0x4;
	s18 =	sadd.s32 s5, s29  }
0x56: {  	[tilespmem:s19+$0x0 ss:$0x41] =	vst.msk $0xffff, v63;
	s31 =	sor.u32 $0x40, s21;
	s18 =	sadd.s32 s20, s18;
	s17 =	sand.u32 $0x3FFFFFFF, s17  }
0x57: {  	[hbm4b:s18+s31] =	stream.strided.scatter [tilespmem:s16], [sflag:$0x2], s17, s8, s31, $0x18;
	[tilespmem:$0x8100] =	vst v63  }
.LBB1_6:
0x58: {  	_ =	sfence.sel $0x180000  }
0x59: {  	s2 =	simm.s32 $0x1;
	[bflag:$0x0] =	sbarrier.arrive $0xFFFF  }
0x5a: {  	s31 =	simm.s32 $0x2;
	[sflag:s2] =	ssyncpa.u1 $0x1  }
0x5b: {  	[sflag:s31] =	ssyncpa.u1 $0x1  }
0x5c: {  	p0 =	sne.s32 s1, $0x0;
	_ =	strace $0x90000047  }
0x5d: {  	s0 =	sadd.s32 @!p0 $0x100000, s0;
	[bflag:$0x2] =	sbarrier.arrive $0xFFFF  }
0x5e: {  	[sflag:s0] =	ssyncadd.tile.s32 @!p0 $0x1;
	_ =	shalt  }
.Lfunc_end1:
_tile_overlayer_lowered:
.L_overlay_start_2:
0x5f: {  	(tag) =	ssettag $0x2  }
0x60: {  	s0 =	rddreg [dreg:$0x0];
	s2 =	stileid.u32  }
0x61: {  	s1 =	rddreg [dreg:$0x1];
	p0 =	sne.s32 s2, $0x0  }
0x62: {  	s3 =	rddreg [dreg:$0x2];
	[bflag:$0x3] =	sbarrier.arrive $0xFFFF;
	s2 =	simm.s32 @!p0 $0x1C01  }
0x63: {  	[timem:s3], [sflag:s2] =	dma.local @!p0 [hbm:s0], s1  }
0x64: {  	s0 =	simm.s32 @!p0 $0x1  }
0x65: {  	_ =	swait.ge @!p0 [sflag:s0], s1  }
0x66: {  	s1 =	ssub.s32 @!p0 $0x0, s1;
	[sflag:s0] =	ssyncset.done @!p0 $0x0  }
0x67: {  	[sflag:s0] =	ssyncadd.s32 @!p0 s1  }
0x68: {  	[bflag:$0x3] =	sbarrier.arrive $0xFFFF  }
0x69: {  	_ =	shalt  }

// kernel: sparse-core-data-format-call.cloned.1.call-start
scs
called_computation_lowered:
.L_overlay_start_0:
0x0: {  	s2 =	sld [smem:$0x3FD9]  }
0x1: {  	s3 =	sld [smem:$0x3FFE];
	_ =	sdelay $0x1  }
0x2: {  	s1 =	srdreg.scid  }
0x3: {  	s0 =	sand.u32 $0x1, s1  }
0x4: {  	s18 =	sshll.u32 s0, $0xA;
	s2 =	sadd.s32 s3, s2  }
0x5: {  	s2 =	sadd.s32 s2, s18  }
0x6: {  	[smem:$0x3FC6] =	sst s2  }
0x7: {  	_ = 	snop  }
0x8: {  	s2 =	sld [smem:$0x3FD0];
	(tm) =	ssettm $0x1  }
0x9: {  	s19 =	sld [smem:$0x3FFB];
	_ =	sdelay $0x3  }
0xa: {  	_ =	strace s19  }
0xb: {  	s3 =	sld [smem:$0x3FFC];
	_ =	sdelay $0x3  }
0xc: {  	_ =	strace s3  }
0xd: {  	s3 =	sld [smem:$0x3FFD];
	_ =	sdelay $0x3  }
0xe: {  	_ =	strace s3  }
0xf: {  	_ =	strace $0x8FFFFFFF  }
0x10: {  	s20 =	sld [smem:$0x3FDB];
	_ =	sdelay $0x1  }
0x11: {  	s4 =	simm.s32 $_scs_section_size  }
0x12: {  	s5 =	simm.s32 $_size__tile_overlayer_lowered;
	s6 =	simm.s32 $_tile_overlayer_lowered  }
0x13: {  	s23 =	simm.s32 $0x1BFF;
	s22 =	sshll.u32 s6, $0x1;
	s3 =	sadd.s32 s4, s20  }
0x14: {  	s7 =	simm.s32 $0x0;
	s21 =	sshll.u32 s5, $0x1;
	s5 =	sadd.s32 s22, s3  }
0x15: {  	[timem:s7], [sflag:s23] =	dma.local [hbm:s5], s21  }
0x16: {  	_ =	swait.ge [sflag:s23], s21  }
0x17: {  	s4 =	ssub.s32 $0x0, s21;
	[sflag:s23] =	ssyncset.done $0x0  }
0x18: {  	[sflag:s23] =	ssyncadd.s32 s4;
	_ =	sdelay $0x1  }
0x19: {  	s24 =	simm.s32 $0x1B8B  }
0x1a: {  	_ =	swait.ge [sflag:s24], $0x1  }
0x1b: {  	[sflag:s24] =	ssyncset.done $0x0  }
0x1c: {  	s26 =	simm.s32 $0x1B8E;
	s25 =	sld [smem:$0x3FFE];
	[sflag:s24] =	ssyncadd.s32 $0xFFFFFFFF  }
0x1d: {  	s27 =	simm.s32 $execute0_lowered;
	[smem:$0x3FD2] =	sst s26  }
0x1e: {  	s5 =	sshll.u32 s27, $0x1;
	_ =	strace $0x8000004C;
	[dreg:$0x1] =	wrdreg $0xFFFFFFFF  }
0x1f: {  	s28 =	simm.s32 $_size_execute0_lowered;
	s3 =	sadd.s32 s3, s5;
	[dreg:$0x0] =	wrdreg $0x0  }
0x20: {  	s5 =	sshll.u32 s28, $0x1;
	[dreg:$0x2] =	wrdreg s3  }
0x21: {  	[dreg:$0x3] =	wrdreg s5  }
0x22: {  	[dreg:$0x4] =	wrdreg $0xC0  }
0x23: {  	_ =	task [dreg:s7], $0x5FFFF  }
0x24: {  	[dreg:$0x1] =	wrdreg $0xFFFFFFFF  }
0x25: {  	[dreg:$0x0] =	wrdreg $0x60  }
0x26: {  	[dreg:$0x2] =	wrdreg s25  }
0x27: {  	[dreg:$0x3] =	wrdreg s2  }
0x28: {  	[dreg:$0x4] =	wrdreg $0x9  }
0x29: {  	_ =	task.clear_ibuf [dreg:s7], $0x5FFFF;
	_ =	strace $0x9000004C  }
0x2a: {  	s29 =	simm.s32 $0x9;
	_ =	strace $0x8000004E  }
0x2b: {  	_ =	swait.ge [sflag:s29], $0x1  }
0x2c: {  	[sflag:s29] =	ssyncadd.s32 $0xFFFFFFFF  }
0x2d: {  	_ =	strace $0x9000004E  }
0x2e: {  	_ =	sfence  }
0x2f: {  	s30 =	sld [smem:$0x0];
	_ =	sdelay $0x2  }
0x30: {  	s31 =	sshll.u32 s1, $0xD;
	s1 =	sshrl.u32 s1, $0x2  }
0x31: {  	s3 =	sand.u32 $0x4000, s31;
	s1 =	sadd.s32 s1, s30  }
0x32: {  	s0 =	sor.u32 s3, s0;
	s1 =	sshll.u32 s1, $0x11  }
0x33: {  	s0 =	sor.u32 s1, s0  }
0x34: {  	s0 =	sadd.s32 $0x8F2B, s0  }
0x35: {  	[sflag:s0] =	ssyncadd.remote.s32 $0x1  }
0x36: {  	_ =	sfence.sel $0xFFFF  }
0x37: {  	[dreg:$0x0] =	wrdreg $0xFFFFFFFF;
	(pc) =	sbr.abs _section_cstart, $3  }
0x38: {  	[dreg:$0x1] =	wrdreg $0xFFFFFFFF  }
0x39: {  	_ =	task.clear_ibuf [dreg:s7], $0x2FFFF;
	_ =	strace $0x9FFFFFFF  }
0x3a: {  	(tm) =	ssettm $0x7FFFFFFF  }
0x3b: {  	_ =	shalt  }
tec
execute0_lowered:
.L_overlay_start_1:
0x0: {  	(tag) =	ssettag $0x1  }
0x1: {  	s0 =	srdreg.scid  }
0x2: {  	s1 =	sshll.u32 s0, $0x4  }
0x3: {  	s0 =	stileid.u32;
	s1 =	sand.u32 $0x10, s1  }
0x4: {  	s1 =	sor.u32 s0, s1  }
0x5: {  	s6 =	rddreg [dreg:$0x0];
	s4 =	simm.s32 $0x1;
	s2 =	sshll.u32 s1, $0x7  }
0x6: {  	s7 =	simm.s32 $0x2;
	s12 =	simm.s32 $0x0;
	s1 =	ssub.s32 $0x1000, s2  }
0x7: {  	s8 =	simm.s32 $0x8000;
	s13 =	simm.s32 $0x0;
	s3 =	sand.u32 $0xF80, s1  }
0x8: {  	s9 =	simm.s32 $0x0;
	s5 =	sshrl.u32 s1, $0xC;
	p0 =	sne.s32 s3, $0x0  }
.Ltmp0:
0x9: {  	s1 =	rddreg [dreg:$0x2];
	s4 =	simm.s32 @!p0 $0x0;
	(pc) =	sbr.rel .LBB1_1-.Ltmp0, $4  }
0xa: {  	s11 =	simm.s32 $0x0;
	s3 =	rddreg [dreg:$0x1];
	s5 =	sadd.s32 s4, s5  }
0xb: {  	_ =	strace $0x8000004D;
	s4 =	simm.s32 $0x1;
	s5 =	smul.u32 $0xC8, s5  }
0xc: {  	s6 =	sadd.s32 $0xE00, s6;
	s10 =	smov.u32 s2;
	[sflag:s4] =	ssyncpa.u1 $0x0  }
0xd: {  	p0 =	por $0x0, $0x0;
	[sflag:s7] =	ssyncpa.u1 $0x0;
	s7 =	sor.u32 $0x1, s5  }
.LBB1_4:
0xe: {  	s16 =	sshll.u32 s13, $0x3;
	s17 =	sand.u32 $0x78, s13  }
0xf: {  	s30 =	sand.u32 $0x7E00, s13;
	s12 =	sshll.u32 s12, $0xF;
	s16 =	sand.u32 $0xC00, s16  }
0x10: {  	[tilespmem:s15+$0x810 ss:$0x81] =	vst.msk $0xffff, v2;
	s31 =	sand.u32 $0x7, s13;
	s16 =	sor.u32 s17, s16;
	s17 =	sadd.s32 s3, s30  }
0x11: {  	[tilespmem:s15+$0x1020 ss:$0x81] =	vst.msk $0xffff, v0;
	s13 =	sshll.u32 s31, $0x12;
	s12 =	sadd.s32 s12, s17;
	s16 =	sshrl.u32 s16, $0x3  }
0x12: {  	[tilespmem:s15+$0x0 ss:$0x81] =	vst.msk $0xffff, v1;
	s13 =	sor.u32 $0x400, s13;
	s12 =	sadd.s32 s16, s12  }
0x13: {  	[hbm4b:s12+s13] =	stream.strided.scatter [tilespmem:s14], [sflag:$0x2], $0x2000, s8, s13, $0x20;
	[tilespmem:$0x8080] =	vst v63  }
.LBB1_5:
0x14: {  	s14 =	sadd.s32 $0x1, s9  }
0x15: {  	s12 =	sadd.s32 $0x1000, s10;
	s16 =	smov.u32 s10;
	p2 =	sgt.s32 s14, $0xC7  }
0x16: {  	s16 =	smov.u32 @p2 s12  }
0x17: {  	s14 =	simm.s32 @p2 $0x0;
	p2 =	sgt.s32 s16, $0xFFF  }
0x18: {  	s16 =	smov.u32 @p2 s2;
	p2 =	sne.s32 s11, s7  }
.Ltmp1:
0x19: {  	p1 =	slt.u32 s11, $0x2;
	(pc) =	sbr.rel @!p2 .LBB1_6-.Ltmp1, $4  }
0x1a: {  	s15 =	simm.s32 @!p1 $0x2  }
0x1b: {  	s13 =	smov.u32 s10;
	p0 =	por !p0, !p0;
	_ =	swait.ge @!p1 [sflag:s15], $0x2000  }
0x1c: {  	s12 =	smov.u32 s9;
	[sflag:s15] =	ssyncset.done @!p1 $0x0;
	s9 =	smov.u32 s14  }
0x1d: {  	s11 =	sadd.s32 $0x1, s11;
	[sflag:s15] =	ssyncadd.s32 @!p1 $0xFFFFE000;
	s10 =	smov.u32 s16  }
.LBB1_1:
0x1e: {  	p1 =	sge.u32 s11, s5  }
0x1f: {  	s14 =	sand.u32 @!p1 $0x1FFFFFF, s9  }
0x20: {  	s15 =	smulhi.u32 @!p1 $0x147AE15, s14;
	_ =	sdelay $0x1  }
0x21: {  	s15 =	smul.u32 @!p1 $0xC8, s15  }
0x22: {  	s16 =	sxor.u32 @!p1 $0xFFFFFFFF, s11;
	s17 =	smul.u32 @!p1 $0xC80, s10  }
0x23: {  	s31 =	sadd.s32 $0xFFFFFFFF, s11;
	s16 =	sshll.u32 @!p1 s16, $0xD;
	s14 =	ssub.s32 @!p1 s14, s15  }
0x24: {  	s15 =	sand.u32 @!p1 $0x2000, s16;
	s16 =	sadd.s32 @!p1 s6, s17;
	s14 =	sshll.u32 @!p1 s14, $0x4  }
0x25: {  	s17 =	simm.s32 @!p1 $0x6400;
	s14 =	sadd.s32 @!p1 s14, s16;
	s16 =	simm.s32 @!p1 $0x40  }
0x26: {  	[tilespmem:s15], [sflag:$0x1] =	stream.strided.gather @!p1 [hbm4b:s14+s16], $0x2000, s17, s16, $0x38;
	[tilespmem:$0x8080] =	vst v63  }
0x27: {  	p1 =	sge.u32 s31, s5  }
.Ltmp2:
0x28: {  	_ = 	snop;
	(pc) =	sbr.rel @p1 .LBB1_5-.Ltmp2, $1  }
0x29: {  	_ =	sdelay $0x3  }
0x2a: {  	s14 =	simm.s32 $0x1  }
0x2b: {  	_ =	swait.ge [sflag:s4], $0x2000;
	s14 =	simm.s32 @!p0 $0x0  }
0x2c: {  	[sflag:s4] =	ssyncset.done $0x0;
	s15 =	sshll.u32 s14, $0xD  }
0x2d: {  	[sflag:s4] =	ssyncadd.s32 $0xFFFFE000;
	s18 =	sor.u32 $0x20, s15  }
0x2e: {  	s14 =	smul.u32 $0x8100, s14;
	v3 =	vld [tilespmem:s18+$0x10]  }
0x2f: {  	s30 =	sand.u32 $0x1, s11;
	v2 =	vld [tilespmem:s18+$0xFFFFFFF0]  }
0x30: {  	s15 =	smul.u32 $0x8100, s30;
	s14 =	sshrl.u32 s14, $0x2;
	v0 =	vld [tilespmem:s18+$0x0]  }
0x31: {  	v1 =	vld [tilespmem:s18+$0xFFFFFFE0];
	s16 =	sor.u32 $0x4000, s14  }
0x32: {  	s31 =	sshrl.u32 s15, $0x2;
	s15 =	sadd.s32 $0x0, s16  }
0x33: {  	s17 =	simm.s32 $0x4;
	s18 =	sadd.s32 $0x40, s18;
	s14 =	sor.u32 $0x4000, s31;
	[tilespmem:s15+$0x1830 ss:$0x81] =	vst.msk $0xffff, v3  }
.LBB1_3:
0x34: {  	v3 =	vld [tilespmem:s18+$0x10];
	p1 =	sne.s32 s17, $0x1FC;
	[tilespmem:s15+$0x810 ss:$0x81] =	vst.msk $0xffff, v2;
	s19 =	smov.u32 s17;
	s17 =	sadd.s32 $0x4, s17  }
.Ltmp3:
0x35: {  	v2 =	vld [tilespmem:s18+$0xFFFFFFF0];
	[tilespmem:s15+$0x1020 ss:$0x81] =	vst.msk $0xffff, v0;
	(pc) =	sbr.rel @p1 .LBB1_3-.Ltmp3, $4  }
0x36: {  	v0 =	vld [tilespmem:s18+$0x0];
	[tilespmem:s15+$0x0 ss:$0x81] =	vst.msk $0xffff, v1  }
0x37: {  	s15 =	sshra.s32 s19, $0x2;
	v1 =	vld [tilespmem:s18+$0xFFFFFFE0]  }
0x38: {  	s15 =	sadd.s32 s15, s16  }
0x39: {  	s18 =	sadd.s32 $0x40, s18;
	[tilespmem:s15+$0x1830 ss:$0x81] =	vst.msk $0xffff, v3  }
.Ltmp4:
0x3a: {  	_ = 	snop;
	(pc) =	sbr.rel .LBB1_4-.Ltmp4, $1  }
0x3b: {  	_ =	sdelay $0x3  }
.LBB1_6:
0x3c: {  	_ =	sfence.sel $0x180000  }
0x3d: {  	s2 =	simm.s32 $0x1;
	[bflag:$0x0] =	sbarrier.arrive $0xFFFF  }
0x3e: {  	s31 =	simm.s32 $0x2;
	[sflag:s2] =	ssyncpa.u1 $0x1  }
0x3f: {  	[sflag:s31] =	ssyncpa.u1 $0x1  }
0x40: {  	p0 =	sne.s32 s0, $0x0;
	_ =	strace $0x9000004D  }
0x41: {  	s0 =	sadd.s32 @!p0 $0x100000, s1;
	[bflag:$0x2] =	sbarrier.arrive $0xFFFF  }
0x42: {  	[sflag:s0] =	ssyncadd.tile.s32 @!p0 $0x1;
	_ =	shalt  }
.Lfunc_end1:
_tile_overlayer_lowered:
.L_overlay_start_2:
0x43: {  	(tag) =	ssettag $0x2  }
0x44: {  	s0 =	rddreg [dreg:$0x0];
	s2 =	stileid.u32  }
0x45: {  	s1 =	rddreg [dreg:$0x1];
	p0 =	sne.s32 s2, $0x0  }
0x46: {  	s3 =	rddreg [dreg:$0x2];
	[bflag:$0x3] =	sbarrier.arrive $0xFFFF;
	s2 =	simm.s32 @!p0 $0x1C01  }
0x47: {  	[timem:s3], [sflag:s2] =	dma.local @!p0 [hbm:s0], s1  }
0x48: {  	s0 =	simm.s32 @!p0 $0x1  }
0x49: {  	_ =	swait.ge @!p0 [sflag:s0], s1  }
0x4a: {  	s1 =	ssub.s32 @!p0 $0x0, s1;
	[sflag:s0] =	ssyncset.done @!p0 $0x0  }
0x4b: {  	[sflag:s0] =	ssyncadd.s32 @!p0 s1  }
0x4c: {  	[bflag:$0x3] =	sbarrier.arrive $0xFFFF  }
0x4d: {  	_ =	shalt  }

</sc_bundles>
